<compile_context>
chip_gen: v7x
topology: tpu7x:2x2x1
jax: 0.10.2.dev20260603
libtpu: 0.0.44.dev20260713+nightly
codegen_flags: <defaults>
</compile_context>

<pallas_src>
import functools

import jax
import jax.numpy as jnp
from jax import lax
from jax.experimental import pallas as pl
from jax.experimental.pallas import tpu as pltpu
from jax.experimental.pallas import tpu_sc as plsc

D = 64
B = 1024
S = 200
V = 1000000
NC, NS = 2, 16
NW = NC * NS
BPW = B // NW
LANES = 16
KD = D // LANES

_mesh = plsc.VectorSubcoreMesh(core_axis_name="c", subcore_axis_name="s")


@functools.partial(
    pl.kernel,
    out_type=jax.ShapeDtypeStruct((B * S, D), jnp.float32),
    mesh=_mesh,
    scratch_types=[
        pltpu.VMEM((BPW, S), jnp.int32),
        pltpu.VMEM((3, S, D), jnp.float32),
        pltpu.VMEM((2, S, D), jnp.float32),
        pltpu.VMEM((S, D), jnp.float32),
        pltpu.SemaphoreType.DMA((3,)),
        pltpu.SemaphoreType.DMA((2,)),
    ],
    compiler_params=pltpu.CompilerParams(use_tc_tiling_on_sc=False),
)
def _emb_lookup(ids_hbm, table_hbm, pos_hbm, out_hbm, ids_v, gbuf,
                tstage, pos_v, gsem, ssem):
    wid = lax.axis_index("s") * NC + lax.axis_index("c")
    b0 = wid * BPW
    pltpu.sync_copy(pos_hbm.at[pl.ds(0, S)], pos_v)
    pltpu.sync_copy(ids_hbm.at[pl.ds(b0, BPW)], ids_v)

    def fire_gather(k):
        b3 = lax.rem(k, 3)
        pltpu.async_copy(table_hbm.at[ids_v.at[k, pl.ds(0, 128)]],
                         gbuf.at[b3, pl.ds(0, 128)], gsem.at[b3])
        pltpu.async_copy(table_hbm.at[ids_v.at[k, pl.ds(128, S - 128)]],
                         gbuf.at[b3, pl.ds(128, S - 128)], gsem.at[b3])

    def wait_gather(k):
        b3 = lax.rem(k, 3)
        pltpu.make_async_copy(table_hbm.at[ids_v.at[k, pl.ds(0, 128)]],
                              gbuf.at[b3, pl.ds(0, 128)],
                              gsem.at[b3]).wait()
        pltpu.make_async_copy(table_hbm.at[ids_v.at[k, pl.ds(128, S - 128)]],
                              gbuf.at[b3, pl.ds(128, S - 128)],
                              gsem.at[b3]).wait()

    def fire_out(k):
        tb = lax.rem(k, 2)
        pltpu.async_copy(tstage.at[tb],
                         out_hbm.at[pl.ds((b0 + k) * S, S)], ssem.at[tb])

    def wait_out(k):
        tb = lax.rem(k, 2)
        pltpu.make_async_copy(tstage.at[tb],
                              out_hbm.at[pl.ds((b0 + k) * S, S)],
                              ssem.at[tb]).wait()

    fire_gather(0)
    fire_gather(1)

    def body(k, carry):
        b3 = lax.rem(k, 3)
        tb = lax.rem(k, 2)

        @pl.when(k < BPW - 2)
        def _():
            fire_gather(k + 2)

        wait_gather(k)

        @pl.when(k >= 2)
        def _():
            wait_out(k - 2)

        @plsc.parallel_loop(0, S, unroll=4)
        def _(s):
            for j in range(KD):
                sl = pl.ds(16 * j, 16)
                tstage[tb, s, sl] = gbuf[b3, s, sl] + pos_v[s, sl]

        fire_out(k)
        return carry

    lax.fori_loop(0, BPW, body, 0)
    wait_out(BPW - 2)
    wait_out(BPW - 1)


def kernel(token_ids, token_table, pos_table):
    table2 = lax.optimization_barrier(token_table.reshape(V // 2, 128))
    table_lin = table2.reshape(V, D)
    out = _emb_lookup(token_ids.astype(jnp.int32), table_lin, pos_table)
    return out.reshape(B, S, D)

# --- scband reference (transcript-rebuilt; emitter-appended) ---
"""Pipeline reference for scband-embeddings-31361851195602 (READ-ONLY COPY).

The authoritative reference and input builder live on the scoring server;
editing this copy changes nothing except your own understanding.
"""

import jax, jax.numpy as jnp
import numpy as np

VOCAB_SIZE = 1000000
MAX_SEQ_LEN = 2048
D_MODEL = 64
BATCH = 1024
SEQ_LEN = 200


def setup_inputs(seed: int = 0) -> dict:
    key = jax.random.key(seed)
    k1, k2, k3 = jax.random.split(key, 3)
    token_ids = jax.random.randint(k1, (BATCH, SEQ_LEN), 0, VOCAB_SIZE, dtype=jnp.int64 if jax.config.jax_enable_x64 else jnp.int32)
    token_table = jax.random.normal(k2, (VOCAB_SIZE, D_MODEL), dtype=jnp.float32) * 0.02
    pos_table = jax.random.normal(k3, (MAX_SEQ_LEN, D_MODEL), dtype=jnp.float32) * 0.02
    return {"token_ids": token_ids, "token_table": token_table, "pos_table": pos_table}


def reference(token_ids, token_table, pos_table):
    batch_size, seq_len = token_ids.shape
    tokens = jnp.take(token_table, token_ids, axis=0)  # [B, S, D] gather
    positions = jnp.arange(seq_len)
    pos = jnp.take(pos_table, positions, axis=0)  # [S, D]
    return tokens + pos[None, :, :]

if __name__ == "__main__":
    import jax
    _d = setup_inputs()
    print(jax.jit(kernel)(*tuple(_d.values())))

</pallas_src>

<mosaic_0001>
#map = affine_map<(d0, d1) -> (0, 0)>
module attributes {stable_mosaic.version = 14 : i64} {
  func.func @_emb_lookup(%arg0: i32, %arg1: i32, %arg2: memref<1024x200xi32, #tpu.memory_space<hbm>>, %arg3: memref<1000000x64xf32, #tpu.memory_space<hbm>>, %arg4: memref<2048x64xf32, #tpu.memory_space<hbm>>, %arg5: memref<204800x64xf32, #tpu.memory_space<hbm>>, %arg6: memref<32x200xi32, #tpu.memory_space<vmem>>, %arg7: memref<3x200x64xf32, #tpu.memory_space<vmem>>, %arg8: memref<2x200x64xf32, #tpu.memory_space<vmem>>, %arg9: memref<200x64xf32, #tpu.memory_space<vmem>>, %arg10: memref<3x!tpu.dma_semaphore, #tpu.memory_space<semaphore_mem>>, %arg11: memref<2x!tpu.dma_semaphore, #tpu.memory_space<semaphore_mem>>) attributes {dimension_semantics = [#tpu.dimension_semantics<core_parallel>, #tpu.dimension_semantics<subcore_parallel>], iteration_bounds = array<i64: 2, 16>, scalar_prefetch = 0 : i64, scratch_operands = 6 : i64, tpu.core_type = #tpu.core_type<sc_vector_subcore>, window_params = [{transform_indices = #map}, {transform_indices = #map}, {transform_indices = #map}, {transform_indices = #map}]} {
    %mul3A = arith.constant 2 : i32
    %mul3A_0 = arith.muli %arg1, %mul3A : i32
    %add3A = arith.addi %mul3A_0, %arg0 : i32
    %mul3A_1 = arith.constant 32 : i32
    %mul3A_2 = arith.muli %add3A, %mul3A_1 : i32
    "tpu.region"() ({
      %run_scoped3A = tpu.sem_alloc : memref<!tpu.dma_semaphore, #tpu.memory_space<semaphore_mem>>
      %dma_start3A_105 = arith.constant 0 : i32
      %dma_start3A_106 = arith.constant 0 : i32
      %dma_start3A_107 = tpu.memref_slice %arg4[%dma_start3A_105, %dma_start3A_106] : memref<2048x64xf32, #tpu.memory_space<hbm>> -> memref<200x64xf32, #tpu.memory_space<hbm>>
      %dma_start3A_108 = arith.constant 0 : i32
      %dma_start3A_109 = arith.constant 0 : i32
      %dma_start3A_110 = tpu.memref_slice %arg4[%dma_start3A_108, %dma_start3A_109] : memref<2048x64xf32, #tpu.memory_space<hbm>> -> memref<200x64xf32, #tpu.memory_space<hbm>>
      tpu.enqueue_dma source(%dma_start3A_110 : memref<200x64xf32, #tpu.memory_space<hbm>>) target(%arg9 : memref<200x64xf32, #tpu.memory_space<vmem>>) target_semaphore(%run_scoped3A : memref<!tpu.dma_semaphore, #tpu.memory_space<semaphore_mem>>)
      %dma_wait3A_111 = arith.constant 0 : i32
      %dma_wait3A_112 = arith.constant 0 : i32
      %dma_wait3A_113 = tpu.memref_slice %arg4[%dma_wait3A_111, %dma_wait3A_112] : memref<2048x64xf32, #tpu.memory_space<hbm>> -> memref<200x64xf32, #tpu.memory_space<hbm>>
      %dma_wait3A_114 = arith.constant 0 : i32
      %dma_wait3A_115 = arith.constant 0 : i32
      %dma_wait3A_116 = tpu.memref_slice %arg4[%dma_wait3A_114, %dma_wait3A_115] : memref<2048x64xf32, #tpu.memory_space<hbm>> -> memref<200x64xf32, #tpu.memory_space<hbm>>
      tpu.wait_dma2 semaphore(%run_scoped3A : memref<!tpu.dma_semaphore, #tpu.memory_space<semaphore_mem>>) src(%dma_wait3A_116 : memref<200x64xf32, #tpu.memory_space<hbm>>) dst(%arg9 : memref<200x64xf32, #tpu.memory_space<vmem>>)
      tpu.yield
    }) : () -> ()
    "tpu.region"() ({
      %run_scoped3A = tpu.sem_alloc : memref<!tpu.dma_semaphore, #tpu.memory_space<semaphore_mem>>
      %dma_start3A_105 = arith.constant 0 : i32
      %dma_start3A_106 = tpu.memref_slice %arg2[%mul3A_2, %dma_start3A_105] : memref<1024x200xi32, #tpu.memory_space<hbm>> -> memref<32x200xi32, #tpu.memory_space<hbm>>
      %dma_start3A_107 = arith.constant 0 : i32
      %dma_start3A_108 = tpu.memref_slice %arg2[%mul3A_2, %dma_start3A_107] : memref<1024x200xi32, #tpu.memory_space<hbm>> -> memref<32x200xi32, #tpu.memory_space<hbm>>
      tpu.enqueue_dma source(%dma_start3A_108 : memref<32x200xi32, #tpu.memory_space<hbm>>) target(%arg6 : memref<32x200xi32, #tpu.memory_space<vmem>>) target_semaphore(%run_scoped3A : memref<!tpu.dma_semaphore, #tpu.memory_space<semaphore_mem>>)
      %dma_wait3A_109 = arith.constant 0 : i32
      %dma_wait3A_110 = tpu.memref_slice %arg2[%mul3A_2, %dma_wait3A_109] : memref<1024x200xi32, #tpu.memory_space<hbm>> -> memref<32x200xi32, #tpu.memory_space<hbm>>
      %dma_wait3A_111 = arith.constant 0 : i32
      %dma_wait3A_112 = tpu.memref_slice %arg2[%mul3A_2, %dma_wait3A_111] : memref<1024x200xi32, #tpu.memory_space<hbm>> -> memref<32x200xi32, #tpu.memory_space<hbm>>
      tpu.wait_dma2 semaphore(%run_scoped3A : memref<!tpu.dma_semaphore, #tpu.memory_space<semaphore_mem>>) src(%dma_wait3A_112 : memref<32x200xi32, #tpu.memory_space<hbm>>) dst(%arg6 : memref<32x200xi32, #tpu.memory_space<vmem>>)
      tpu.yield
    }) : () -> ()
    %rem3A = arith.constant 0 : i32
    %rem3A_3 = arith.constant 3 : i32
    %rem3A_4 = arith.remsi %rem3A, %rem3A_3 : i32
    %dma_start3A = arith.constant 0 : i32
    %dma_start3A_5 = arith.constant 0 : i32
    %dma_start3A_6 = arith.constant 0 : i32
    %dma_start3A_7 = tpu.memref_slice %arg7[%rem3A_4, %dma_start3A_5, %dma_start3A_6] : memref<3x200x64xf32, #tpu.memory_space<vmem>> -> memref<1x128x64xf32, #tpu.memory_space<vmem>>
    %dma_start3A_8 = tpu.memref_squeeze %dma_start3A_7 : memref<1x128x64xf32, #tpu.memory_space<vmem>> -> memref<128x64xf32, #tpu.memory_space<vmem>>
    %dma_start3A_9 = arith.constant 0 : i32
    %dma_start3A_10 = tpu.memref_slice %arg6[%dma_start3A, %dma_start3A_9] : memref<32x200xi32, #tpu.memory_space<vmem>> -> memref<1x128xi32, #tpu.memory_space<vmem>>
    %dma_start3A_11 = tpu.memref_squeeze %dma_start3A_10 : memref<1x128xi32, #tpu.memory_space<vmem>> -> memref<128xi32, #tpu.memory_space<vmem>>
    %dma_start3A_12 = arith.constant 0 : i32
    %dma_start3A_13 = arith.constant 0 : i32
    %dma_start3A_14 = tpu.memref_slice %arg3[%dma_start3A_12, %dma_start3A_13] : memref<1000000x64xf32, #tpu.memory_space<hbm>> -> memref<1000000x64xf32, #tpu.memory_space<hbm>>
    %dma_start3A_15 = tpu.memref_slice %arg10[%rem3A_4] : memref<3x!tpu.dma_semaphore, #tpu.memory_space<semaphore_mem>> -> memref<1x!tpu.dma_semaphore, #tpu.memory_space<semaphore_mem>>
    %dma_start3A_16 = tpu.memref_squeeze %dma_start3A_15 : memref<1x!tpu.dma_semaphore, #tpu.memory_space<semaphore_mem>> -> memref<!tpu.dma_semaphore, #tpu.memory_space<semaphore_mem>>
    tpu.enqueue_indirect_dma source(%dma_start3A_14 : memref<1000000x64xf32, #tpu.memory_space<hbm>>) target(%dma_start3A_8 : memref<128x64xf32, #tpu.memory_space<vmem>>) offsets(%dma_start3A_11 : memref<128xi32, #tpu.memory_space<vmem>>) semaphore(%dma_start3A_16 : memref<!tpu.dma_semaphore, #tpu.memory_space<semaphore_mem>>)
    %dma_start3A_17 = arith.constant 0 : i32
    %dma_start3A_18 = arith.constant 128 : i32
    %dma_start3A_19 = arith.constant 0 : i32
    %dma_start3A_20 = tpu.memref_slice %arg7[%rem3A_4, %dma_start3A_18, %dma_start3A_19] : memref<3x200x64xf32, #tpu.memory_space<vmem>> -> memref<1x72x64xf32, #tpu.memory_space<vmem>>
    %dma_start3A_21 = tpu.memref_squeeze %dma_start3A_20 : memref<1x72x64xf32, #tpu.memory_space<vmem>> -> memref<72x64xf32, #tpu.memory_space<vmem>>
    %dma_start3A_22 = arith.constant 128 : i32
    %dma_start3A_23 = tpu.memref_slice %arg6[%dma_start3A_17, %dma_start3A_22] : memref<32x200xi32, #tpu.memory_space<vmem>> -> memref<1x72xi32, #tpu.memory_space<vmem>>
    %dma_start3A_24 = tpu.memref_squeeze %dma_start3A_23 : memref<1x72xi32, #tpu.memory_space<vmem>> -> memref<72xi32, #tpu.memory_space<vmem>>
    %dma_start3A_25 = arith.constant 0 : i32
    %dma_start3A_26 = arith.constant 0 : i32
    %dma_start3A_27 = tpu.memref_slice %arg3[%dma_start3A_25, %dma_start3A_26] : memref<1000000x64xf32, #tpu.memory_space<hbm>> -> memref<1000000x64xf32, #tpu.memory_space<hbm>>
    %dma_start3A_28 = tpu.memref_slice %arg10[%rem3A_4] : memref<3x!tpu.dma_semaphore, #tpu.memory_space<semaphore_mem>> -> memref<1x!tpu.dma_semaphore, #tpu.memory_space<semaphore_mem>>
    %dma_start3A_29 = tpu.memref_squeeze %dma_start3A_28 : memref<1x!tpu.dma_semaphore, #tpu.memory_space<semaphore_mem>> -> memref<!tpu.dma_semaphore, #tpu.memory_space<semaphore_mem>>
    tpu.enqueue_indirect_dma source(%dma_start3A_27 : memref<1000000x64xf32, #tpu.memory_space<hbm>>) target(%dma_start3A_21 : memref<72x64xf32, #tpu.memory_space<vmem>>) offsets(%dma_start3A_24 : memref<72xi32, #tpu.memory_space<vmem>>) semaphore(%dma_start3A_29 : memref<!tpu.dma_semaphore, #tpu.memory_space<semaphore_mem>>)
    %rem3A_30 = arith.constant 1 : i32
    %rem3A_31 = arith.constant 3 : i32
    %rem3A_32 = arith.remsi %rem3A_30, %rem3A_31 : i32
    %dma_start3A_33 = arith.constant 1 : i32
    %dma_start3A_34 = arith.constant 0 : i32
    %dma_start3A_35 = arith.constant 0 : i32
    %dma_start3A_36 = tpu.memref_slice %arg7[%rem3A_32, %dma_start3A_34, %dma_start3A_35] : memref<3x200x64xf32, #tpu.memory_space<vmem>> -> memref<1x128x64xf32, #tpu.memory_space<vmem>>
    %dma_start3A_37 = tpu.memref_squeeze %dma_start3A_36 : memref<1x128x64xf32, #tpu.memory_space<vmem>> -> memref<128x64xf32, #tpu.memory_space<vmem>>
    %dma_start3A_38 = arith.constant 0 : i32
    %dma_start3A_39 = tpu.memref_slice %arg6[%dma_start3A_33, %dma_start3A_38] : memref<32x200xi32, #tpu.memory_space<vmem>> -> memref<1x128xi32, #tpu.memory_space<vmem>>
    %dma_start3A_40 = tpu.memref_squeeze %dma_start3A_39 : memref<1x128xi32, #tpu.memory_space<vmem>> -> memref<128xi32, #tpu.memory_space<vmem>>
    %dma_start3A_41 = arith.constant 0 : i32
    %dma_start3A_42 = arith.constant 0 : i32
    %dma_start3A_43 = tpu.memref_slice %arg3[%dma_start3A_41, %dma_start3A_42] : memref<1000000x64xf32, #tpu.memory_space<hbm>> -> memref<1000000x64xf32, #tpu.memory_space<hbm>>
    %dma_start3A_44 = tpu.memref_slice %arg10[%rem3A_32] : memref<3x!tpu.dma_semaphore, #tpu.memory_space<semaphore_mem>> -> memref<1x!tpu.dma_semaphore, #tpu.memory_space<semaphore_mem>>
    %dma_start3A_45 = tpu.memref_squeeze %dma_start3A_44 : memref<1x!tpu.dma_semaphore, #tpu.memory_space<semaphore_mem>> -> memref<!tpu.dma_semaphore, #tpu.memory_space<semaphore_mem>>
    tpu.enqueue_indirect_dma source(%dma_start3A_43 : memref<1000000x64xf32, #tpu.memory_space<hbm>>) target(%dma_start3A_37 : memref<128x64xf32, #tpu.memory_space<vmem>>) offsets(%dma_start3A_40 : memref<128xi32, #tpu.memory_space<vmem>>) semaphore(%dma_start3A_45 : memref<!tpu.dma_semaphore, #tpu.memory_space<semaphore_mem>>)
    %dma_start3A_46 = arith.constant 1 : i32
    %dma_start3A_47 = arith.constant 128 : i32
    %dma_start3A_48 = arith.constant 0 : i32
    %dma_start3A_49 = tpu.memref_slice %arg7[%rem3A_32, %dma_start3A_47, %dma_start3A_48] : memref<3x200x64xf32, #tpu.memory_space<vmem>> -> memref<1x72x64xf32, #tpu.memory_space<vmem>>
    %dma_start3A_50 = tpu.memref_squeeze %dma_start3A_49 : memref<1x72x64xf32, #tpu.memory_space<vmem>> -> memref<72x64xf32, #tpu.memory_space<vmem>>
    %dma_start3A_51 = arith.constant 128 : i32
    %dma_start3A_52 = tpu.memref_slice %arg6[%dma_start3A_46, %dma_start3A_51] : memref<32x200xi32, #tpu.memory_space<vmem>> -> memref<1x72xi32, #tpu.memory_space<vmem>>
    %dma_start3A_53 = tpu.memref_squeeze %dma_start3A_52 : memref<1x72xi32, #tpu.memory_space<vmem>> -> memref<72xi32, #tpu.memory_space<vmem>>
    %dma_start3A_54 = arith.constant 0 : i32
    %dma_start3A_55 = arith.constant 0 : i32
    %dma_start3A_56 = tpu.memref_slice %arg3[%dma_start3A_54, %dma_start3A_55] : memref<1000000x64xf32, #tpu.memory_space<hbm>> -> memref<1000000x64xf32, #tpu.memory_space<hbm>>
    %dma_start3A_57 = tpu.memref_slice %arg10[%rem3A_32] : memref<3x!tpu.dma_semaphore, #tpu.memory_space<semaphore_mem>> -> memref<1x!tpu.dma_semaphore, #tpu.memory_space<semaphore_mem>>
    %dma_start3A_58 = tpu.memref_squeeze %dma_start3A_57 : memref<1x!tpu.dma_semaphore, #tpu.memory_space<semaphore_mem>> -> memref<!tpu.dma_semaphore, #tpu.memory_space<semaphore_mem>>
    tpu.enqueue_indirect_dma source(%dma_start3A_56 : memref<1000000x64xf32, #tpu.memory_space<hbm>>) target(%dma_start3A_50 : memref<72x64xf32, #tpu.memory_space<vmem>>) offsets(%dma_start3A_53 : memref<72xi32, #tpu.memory_space<vmem>>) semaphore(%dma_start3A_58 : memref<!tpu.dma_semaphore, #tpu.memory_space<semaphore_mem>>)
    %scan3A = arith.constant 0 : i32
    %scan3A_59 = arith.constant 0 : i32
    %scan3A_60 = arith.constant 32 : i32
    %scan3A_61 = arith.addi %scan3A_59, %scan3A_60 : i32
    %scan3A_62 = arith.constant 1 : i32
    scf.for %scan3A_105 = %scan3A_59 to %scan3A_61 step %scan3A_62  : i32 {
      %rem3A_106 = arith.constant 3 : i32
      %rem3A_107 = arith.remsi %scan3A_105, %rem3A_106 : i32
      %rem3A_108 = arith.constant 2 : i32
      %rem3A_109 = arith.remsi %scan3A_105, %rem3A_108 : i32
      %lt3A = arith.constant 30 : i32
      %lt3A_110 = arith.cmpi slt, %scan3A_105, %lt3A : i32
      %convert_element_type3A = arith.extui %lt3A_110 : i1 to i32
      %cond3A = arith.constant 0 : i32
      %cond3A_111 = arith.cmpi ne, %convert_element_type3A, %cond3A : i32
      scf.if %cond3A_111 {
        %add3A_163 = arith.constant 2 : i32
        %add3A_164 = arith.addi %scan3A_105, %add3A_163 : i32
        %rem3A_165 = arith.constant 3 : i32
        %rem3A_166 = arith.remsi %add3A_164, %rem3A_165 : i32
        %dma_start3A_167 = arith.constant 0 : i32
        %dma_start3A_168 = arith.constant 0 : i32
        %dma_start3A_169 = tpu.memref_slice %arg7[%rem3A_166, %dma_start3A_167, %dma_start3A_168] : memref<3x200x64xf32, #tpu.memory_space<vmem>> -> memref<1x128x64xf32, #tpu.memory_space<vmem>>
        %dma_start3A_170 = tpu.memref_squeeze %dma_start3A_169 : memref<1x128x64xf32, #tpu.memory_space<vmem>> -> memref<128x64xf32, #tpu.memory_space<vmem>>
        %dma_start3A_171 = arith.constant 0 : i32
        %dma_start3A_172 = tpu.memref_slice %arg6[%add3A_164, %dma_start3A_171] : memref<32x200xi32, #tpu.memory_space<vmem>> -> memref<1x128xi32, #tpu.memory_space<vmem>>
        %dma_start3A_173 = tpu.memref_squeeze %dma_start3A_172 : memref<1x128xi32, #tpu.memory_space<vmem>> -> memref<128xi32, #tpu.memory_space<vmem>>
        %dma_start3A_174 = arith.constant 0 : i32
        %dma_start3A_175 = arith.constant 0 : i32
        %dma_start3A_176 = tpu.memref_slice %arg3[%dma_start3A_174, %dma_start3A_175] : memref<1000000x64xf32, #tpu.memory_space<hbm>> -> memref<1000000x64xf32, #tpu.memory_space<hbm>>
        %dma_start3A_177 = tpu.memref_slice %arg10[%rem3A_166] : memref<3x!tpu.dma_semaphore, #tpu.memory_space<semaphore_mem>> -> memref<1x!tpu.dma_semaphore, #tpu.memory_space<semaphore_mem>>
        %dma_start3A_178 = tpu.memref_squeeze %dma_start3A_177 : memref<1x!tpu.dma_semaphore, #tpu.memory_space<semaphore_mem>> -> memref<!tpu.dma_semaphore, #tpu.memory_space<semaphore_mem>>
        tpu.enqueue_indirect_dma source(%dma_start3A_176 : memref<1000000x64xf32, #tpu.memory_space<hbm>>) target(%dma_start3A_170 : memref<128x64xf32, #tpu.memory_space<vmem>>) offsets(%dma_start3A_173 : memref<128xi32, #tpu.memory_space<vmem>>) semaphore(%dma_start3A_178 : memref<!tpu.dma_semaphore, #tpu.memory_space<semaphore_mem>>)
        %dma_start3A_179 = arith.constant 128 : i32
        %dma_start3A_180 = arith.constant 0 : i32
        %dma_start3A_181 = tpu.memref_slice %arg7[%rem3A_166, %dma_start3A_179, %dma_start3A_180] : memref<3x200x64xf32, #tpu.memory_space<vmem>> -> memref<1x72x64xf32, #tpu.memory_space<vmem>>
        %dma_start3A_182 = tpu.memref_squeeze %dma_start3A_181 : memref<1x72x64xf32, #tpu.memory_space<vmem>> -> memref<72x64xf32, #tpu.memory_space<vmem>>
        %dma_start3A_183 = arith.constant 128 : i32
        %dma_start3A_184 = tpu.memref_slice %arg6[%add3A_164, %dma_start3A_183] : memref<32x200xi32, #tpu.memory_space<vmem>> -> memref<1x72xi32, #tpu.memory_space<vmem>>
        %dma_start3A_185 = tpu.memref_squeeze %dma_start3A_184 : memref<1x72xi32, #tpu.memory_space<vmem>> -> memref<72xi32, #tpu.memory_space<vmem>>
        %dma_start3A_186 = arith.constant 0 : i32
        %dma_start3A_187 = arith.constant 0 : i32
        %dma_start3A_188 = tpu.memref_slice %arg3[%dma_start3A_186, %dma_start3A_187] : memref<1000000x64xf32, #tpu.memory_space<hbm>> -> memref<1000000x64xf32, #tpu.memory_space<hbm>>
        %dma_start3A_189 = tpu.memref_slice %arg10[%rem3A_166] : memref<3x!tpu.dma_semaphore, #tpu.memory_space<semaphore_mem>> -> memref<1x!tpu.dma_semaphore, #tpu.memory_space<semaphore_mem>>
        %dma_start3A_190 = tpu.memref_squeeze %dma_start3A_189 : memref<1x!tpu.dma_semaphore, #tpu.memory_space<semaphore_mem>> -> memref<!tpu.dma_semaphore, #tpu.memory_space<semaphore_mem>>
        tpu.enqueue_indirect_dma source(%dma_start3A_188 : memref<1000000x64xf32, #tpu.memory_space<hbm>>) target(%dma_start3A_182 : memref<72x64xf32, #tpu.memory_space<vmem>>) offsets(%dma_start3A_185 : memref<72xi32, #tpu.memory_space<vmem>>) semaphore(%dma_start3A_190 : memref<!tpu.dma_semaphore, #tpu.memory_space<semaphore_mem>>)
      } else {
      }
      %rem3A_112 = arith.constant 3 : i32
      %rem3A_113 = arith.remsi %scan3A_105, %rem3A_112 : i32
      %dma_wait3A_114 = arith.constant 0 : i32
      %dma_wait3A_115 = arith.constant 0 : i32
      %dma_wait3A_116 = tpu.memref_slice %arg7[%rem3A_113, %dma_wait3A_114, %dma_wait3A_115] : memref<3x200x64xf32, #tpu.memory_space<vmem>> -> memref<1x128x64xf32, #tpu.memory_space<vmem>>
      %dma_wait3A_117 = tpu.memref_squeeze %dma_wait3A_116 : memref<1x128x64xf32, #tpu.memory_space<vmem>> -> memref<128x64xf32, #tpu.memory_space<vmem>>
      %dma_wait3A_118 = arith.constant 0 : i32
      %dma_wait3A_119 = tpu.memref_slice %arg6[%scan3A_105, %dma_wait3A_118] : memref<32x200xi32, #tpu.memory_space<vmem>> -> memref<1x128xi32, #tpu.memory_space<vmem>>
      %dma_wait3A_120 = tpu.memref_squeeze %dma_wait3A_119 : memref<1x128xi32, #tpu.memory_space<vmem>> -> memref<128xi32, #tpu.memory_space<vmem>>
      %dma_wait3A_121 = arith.constant 0 : i32
      %dma_wait3A_122 = arith.constant 0 : i32
      %dma_wait3A_123 = tpu.memref_slice %arg3[%dma_wait3A_121, %dma_wait3A_122] : memref<1000000x64xf32, #tpu.memory_space<hbm>> -> memref<1000000x64xf32, #tpu.memory_space<hbm>>
      %dma_wait3A_124 = tpu.memref_slice %arg10[%rem3A_113] : memref<3x!tpu.dma_semaphore, #tpu.memory_space<semaphore_mem>> -> memref<1x!tpu.dma_semaphore, #tpu.memory_space<semaphore_mem>>
      %dma_wait3A_125 = tpu.memref_squeeze %dma_wait3A_124 : memref<1x!tpu.dma_semaphore, #tpu.memory_space<semaphore_mem>> -> memref<!tpu.dma_semaphore, #tpu.memory_space<semaphore_mem>>
      tpu.wait_indirect_dma semaphore(%dma_wait3A_125 : memref<!tpu.dma_semaphore, #tpu.memory_space<semaphore_mem>>) src(%dma_wait3A_123 : memref<1000000x64xf32, #tpu.memory_space<hbm>>) dst(%dma_wait3A_117 : memref<128x64xf32, #tpu.memory_space<vmem>>)
      %dma_wait3A_126 = arith.constant 128 : i32
      %dma_wait3A_127 = arith.constant 0 : i32
      %dma_wait3A_128 = tpu.memref_slice %arg7[%rem3A_113, %dma_wait3A_126, %dma_wait3A_127] : memref<3x200x64xf32, #tpu.memory_space<vmem>> -> memref<1x72x64xf32, #tpu.memory_space<vmem>>
      %dma_wait3A_129 = tpu.memref_squeeze %dma_wait3A_128 : memref<1x72x64xf32, #tpu.memory_space<vmem>> -> memref<72x64xf32, #tpu.memory_space<vmem>>
      %dma_wait3A_130 = arith.constant 128 : i32
      %dma_wait3A_131 = tpu.memref_slice %arg6[%scan3A_105, %dma_wait3A_130] : memref<32x200xi32, #tpu.memory_space<vmem>> -> memref<1x72xi32, #tpu.memory_space<vmem>>
      %dma_wait3A_132 = tpu.memref_squeeze %dma_wait3A_131 : memref<1x72xi32, #tpu.memory_space<vmem>> -> memref<72xi32, #tpu.memory_space<vmem>>
      %dma_wait3A_133 = arith.constant 0 : i32
      %dma_wait3A_134 = arith.constant 0 : i32
      %dma_wait3A_135 = tpu.memref_slice %arg3[%dma_wait3A_133, %dma_wait3A_134] : memref<1000000x64xf32, #tpu.memory_space<hbm>> -> memref<1000000x64xf32, #tpu.memory_space<hbm>>
      %dma_wait3A_136 = tpu.memref_slice %arg10[%rem3A_113] : memref<3x!tpu.dma_semaphore, #tpu.memory_space<semaphore_mem>> -> memref<1x!tpu.dma_semaphore, #tpu.memory_space<semaphore_mem>>
      %dma_wait3A_137 = tpu.memref_squeeze %dma_wait3A_136 : memref<1x!tpu.dma_semaphore, #tpu.memory_space<semaphore_mem>> -> memref<!tpu.dma_semaphore, #tpu.memory_space<semaphore_mem>>
      tpu.wait_indirect_dma semaphore(%dma_wait3A_137 : memref<!tpu.dma_semaphore, #tpu.memory_space<semaphore_mem>>) src(%dma_wait3A_135 : memref<1000000x64xf32, #tpu.memory_space<hbm>>) dst(%dma_wait3A_129 : memref<72x64xf32, #tpu.memory_space<vmem>>)
      %ge3A = arith.constant 2 : i32
      %ge3A_138 = arith.cmpi sge, %scan3A_105, %ge3A : i32
      %convert_element_type3A_139 = arith.extui %ge3A_138 : i1 to i32
      %cond3A_140 = arith.constant 0 : i32
      %cond3A_141 = arith.cmpi ne, %convert_element_type3A_139, %cond3A_140 : i32
      scf.if %cond3A_141 {
        %sub3A = arith.constant 2 : i32
        %sub3A_163 = arith.subi %scan3A_105, %sub3A : i32
        %rem3A_164 = arith.constant 2 : i32
        %rem3A_165 = arith.remsi %sub3A_163, %rem3A_164 : i32
        %add3A_166 = arith.addi %mul3A_2, %sub3A_163 : i32
        %mul3A_167 = arith.constant 200 : i32
        %mul3A_168 = arith.muli %add3A_166, %mul3A_167 : i32
        %dma_wait3A_169 = arith.constant 0 : i32
        %dma_wait3A_170 = arith.constant 0 : i32
        %dma_wait3A_171 = tpu.memref_slice %arg8[%rem3A_165, %dma_wait3A_169, %dma_wait3A_170] : memref<2x200x64xf32, #tpu.memory_space<vmem>> -> memref<1x200x64xf32, #tpu.memory_space<vmem>>
        %dma_wait3A_172 = tpu.memref_squeeze %dma_wait3A_171 : memref<1x200x64xf32, #tpu.memory_space<vmem>> -> memref<200x64xf32, #tpu.memory_space<vmem>>
        %dma_wait3A_173 = arith.constant 0 : i32
        %dma_wait3A_174 = tpu.memref_slice %arg5[%mul3A_168, %dma_wait3A_173] : memref<204800x64xf32, #tpu.memory_space<hbm>> -> memref<200x64xf32, #tpu.memory_space<hbm>>
        %dma_wait3A_175 = tpu.memref_slice %arg11[%rem3A_165] : memref<2x!tpu.dma_semaphore, #tpu.memory_space<semaphore_mem>> -> memref<1x!tpu.dma_semaphore, #tpu.memory_space<semaphore_mem>>
        %dma_wait3A_176 = tpu.memref_squeeze %dma_wait3A_175 : memref<1x!tpu.dma_semaphore, #tpu.memory_space<semaphore_mem>> -> memref<!tpu.dma_semaphore, #tpu.memory_space<semaphore_mem>>
        %dma_wait3A_177 = arith.constant 0 : i32
        %dma_wait3A_178 = tpu.memref_slice %arg5[%mul3A_168, %dma_wait3A_177] : memref<204800x64xf32, #tpu.memory_space<hbm>> -> memref<200x64xf32, #tpu.memory_space<hbm>>
        %dma_wait3A_179 = arith.constant 0 : i32
        %dma_wait3A_180 = arith.constant 0 : i32
        %dma_wait3A_181 = tpu.memref_slice %arg8[%rem3A_165, %dma_wait3A_179, %dma_wait3A_180] : memref<2x200x64xf32, #tpu.memory_space<vmem>> -> memref<1x200x64xf32, #tpu.memory_space<vmem>>
        %dma_wait3A_182 = tpu.memref_squeeze %dma_wait3A_181 : memref<1x200x64xf32, #tpu.memory_space<vmem>> -> memref<200x64xf32, #tpu.memory_space<vmem>>
        tpu.wait_dma2 semaphore(%dma_wait3A_176 : memref<!tpu.dma_semaphore, #tpu.memory_space<semaphore_mem>>) src(%dma_wait3A_182 : memref<200x64xf32, #tpu.memory_space<vmem>>) dst(%dma_wait3A_178 : memref<200x64xf32, #tpu.memory_space<hbm>>)
      } else {
      }
      %parallel_loop3A = arith.constant 0 : i32
      %parallel_loop3A_142 = arith.constant 200 : i32
      %parallel_loop3A_143 = arith.constant 1 : i32
      scf.for %parallel_loop3A_163 = %parallel_loop3A to %parallel_loop3A_142 step %parallel_loop3A_143  : i32 {
        %parallel_loop3A_164 = arith.index_cast %rem3A_107 : i32 to index
        %parallel_loop3A_165 = arith.index_cast %parallel_loop3A_163 : i32 to index
        %parallel_loop3A_166 = arith.constant 0 : index
        %parallel_loop3A_167 = tpu.vector_load %arg7[%parallel_loop3A_164, %parallel_loop3A_165, %parallel_loop3A_166] {strides = array<i32>} : memref<3x200x64xf32, #tpu.memory_space<vmem>>, vector<1x1x16xf32>,
        %parallel_loop3A_168 = vector.shape_cast %parallel_loop3A_167 : vector<1x1x16xf32> to vector<16xf32>
        %parallel_loop3A_169 = arith.index_cast %parallel_loop3A_163 : i32 to index
        %parallel_loop3A_170 = arith.constant 0 : index
        %parallel_loop3A_171 = tpu.vector_load %arg9[%parallel_loop3A_169, %parallel_loop3A_170] {strides = array<i32>} : memref<200x64xf32, #tpu.memory_space<vmem>>, vector<1x16xf32>,
        %parallel_loop3A_172 = vector.shape_cast %parallel_loop3A_171 : vector<1x16xf32> to vector<16xf32>
        %parallel_loop3A_173 = arith.addf %parallel_loop3A_168, %parallel_loop3A_172 : vector<16xf32>
        %parallel_loop3A_174 = arith.index_cast %rem3A_109 : i32 to index
        %parallel_loop3A_175 = arith.index_cast %parallel_loop3A_163 : i32 to index
        %parallel_loop3A_176 = arith.constant 0 : index
        %parallel_loop3A_177 = tpu.vector_load %arg8[%parallel_loop3A_174, %parallel_loop3A_175, %parallel_loop3A_176] {strides = array<i32>} : memref<2x200x64xf32, #tpu.memory_space<vmem>>, vector<1x1x16xf32>,
        %parallel_loop3A_178 = vector.shape_cast %parallel_loop3A_177 : vector<1x1x16xf32> to vector<16xf32>
        %parallel_loop3A_179 = vector.shape_cast %parallel_loop3A_173 : vector<16xf32> to vector<1x1x16xf32>
        tpu.vector_store %arg8[%parallel_loop3A_174, %parallel_loop3A_175, %parallel_loop3A_176], %parallel_loop3A_179 {strides = array<i32>} : memref<2x200x64xf32, #tpu.memory_space<vmem>>, vector<1x1x16xf32>,
        %parallel_loop3A_180 = arith.index_cast %rem3A_107 : i32 to index
        %parallel_loop3A_181 = arith.index_cast %parallel_loop3A_163 : i32 to index
        %parallel_loop3A_182 = arith.constant 16 : index
        %parallel_loop3A_183 = tpu.vector_load %arg7[%parallel_loop3A_180, %parallel_loop3A_181, %parallel_loop3A_182] {strides = array<i32>} : memref<3x200x64xf32, #tpu.memory_space<vmem>>, vector<1x1x16xf32>,
        %parallel_loop3A_184 = vector.shape_cast %parallel_loop3A_183 : vector<1x1x16xf32> to vector<16xf32>
        %parallel_loop3A_185 = arith.index_cast %parallel_loop3A_163 : i32 to index
        %parallel_loop3A_186 = arith.constant 16 : index
        %parallel_loop3A_187 = tpu.vector_load %arg9[%parallel_loop3A_185, %parallel_loop3A_186] {strides = array<i32>} : memref<200x64xf32, #tpu.memory_space<vmem>>, vector<1x16xf32>,
        %parallel_loop3A_188 = vector.shape_cast %parallel_loop3A_187 : vector<1x16xf32> to vector<16xf32>
        %parallel_loop3A_189 = arith.addf %parallel_loop3A_184, %parallel_loop3A_188 : vector<16xf32>
        %parallel_loop3A_190 = arith.index_cast %rem3A_109 : i32 to index
        %parallel_loop3A_191 = arith.index_cast %parallel_loop3A_163 : i32 to index
        %parallel_loop3A_192 = arith.constant 16 : index
        %parallel_loop3A_193 = tpu.vector_load %arg8[%parallel_loop3A_190, %parallel_loop3A_191, %parallel_loop3A_192] {strides = array<i32>} : memref<2x200x64xf32, #tpu.memory_space<vmem>>, vector<1x1x16xf32>,
        %parallel_loop3A_194 = vector.shape_cast %parallel_loop3A_193 : vector<1x1x16xf32> to vector<16xf32>
        %parallel_loop3A_195 = vector.shape_cast %parallel_loop3A_189 : vector<16xf32> to vector<1x1x16xf32>
        tpu.vector_store %arg8[%parallel_loop3A_190, %parallel_loop3A_191, %parallel_loop3A_192], %parallel_loop3A_195 {strides = array<i32>} : memref<2x200x64xf32, #tpu.memory_space<vmem>>, vector<1x1x16xf32>,
        %parallel_loop3A_196 = arith.index_cast %rem3A_107 : i32 to index
        %parallel_loop3A_197 = arith.index_cast %parallel_loop3A_163 : i32 to index
        %parallel_loop3A_198 = arith.constant 32 : index
        %parallel_loop3A_199 = tpu.vector_load %arg7[%parallel_loop3A_196, %parallel_loop3A_197, %parallel_loop3A_198] {strides = array<i32>} : memref<3x200x64xf32, #tpu.memory_space<vmem>>, vector<1x1x16xf32>,
        %parallel_loop3A_200 = vector.shape_cast %parallel_loop3A_199 : vector<1x1x16xf32> to vector<16xf32>
        %parallel_loop3A_201 = arith.index_cast %parallel_loop3A_163 : i32 to index
        %parallel_loop3A_202 = arith.constant 32 : index
        %parallel_loop3A_203 = tpu.vector_load %arg9[%parallel_loop3A_201, %parallel_loop3A_202] {strides = array<i32>} : memref<200x64xf32, #tpu.memory_space<vmem>>, vector<1x16xf32>,
        %parallel_loop3A_204 = vector.shape_cast %parallel_loop3A_203 : vector<1x16xf32> to vector<16xf32>
        %parallel_loop3A_205 = arith.addf %parallel_loop3A_200, %parallel_loop3A_204 : vector<16xf32>
        %parallel_loop3A_206 = arith.index_cast %rem3A_109 : i32 to index
        %parallel_loop3A_207 = arith.index_cast %parallel_loop3A_163 : i32 to index
        %parallel_loop3A_208 = arith.constant 32 : index
        %parallel_loop3A_209 = tpu.vector_load %arg8[%parallel_loop3A_206, %parallel_loop3A_207, %parallel_loop3A_208] {strides = array<i32>} : memref<2x200x64xf32, #tpu.memory_space<vmem>>, vector<1x1x16xf32>,
        %parallel_loop3A_210 = vector.shape_cast %parallel_loop3A_209 : vector<1x1x16xf32> to vector<16xf32>
        %parallel_loop3A_211 = vector.shape_cast %parallel_loop3A_205 : vector<16xf32> to vector<1x1x16xf32>
        tpu.vector_store %arg8[%parallel_loop3A_206, %parallel_loop3A_207, %parallel_loop3A_208], %parallel_loop3A_211 {strides = array<i32>} : memref<2x200x64xf32, #tpu.memory_space<vmem>>, vector<1x1x16xf32>,
        %parallel_loop3A_212 = arith.index_cast %rem3A_107 : i32 to index
        %parallel_loop3A_213 = arith.index_cast %parallel_loop3A_163 : i32 to index
        %parallel_loop3A_214 = arith.constant 48 : index
        %parallel_loop3A_215 = tpu.vector_load %arg7[%parallel_loop3A_212, %parallel_loop3A_213, %parallel_loop3A_214] {strides = array<i32>} : memref<3x200x64xf32, #tpu.memory_space<vmem>>, vector<1x1x16xf32>,
        %parallel_loop3A_216 = vector.shape_cast %parallel_loop3A_215 : vector<1x1x16xf32> to vector<16xf32>
        %parallel_loop3A_217 = arith.index_cast %parallel_loop3A_163 : i32 to index
        %parallel_loop3A_218 = arith.constant 48 : index
        %parallel_loop3A_219 = tpu.vector_load %arg9[%parallel_loop3A_217, %parallel_loop3A_218] {strides = array<i32>} : memref<200x64xf32, #tpu.memory_space<vmem>>, vector<1x16xf32>,
        %parallel_loop3A_220 = vector.shape_cast %parallel_loop3A_219 : vector<1x16xf32> to vector<16xf32>
        %parallel_loop3A_221 = arith.addf %parallel_loop3A_216, %parallel_loop3A_220 : vector<16xf32>
        %parallel_loop3A_222 = arith.index_cast %rem3A_109 : i32 to index
        %parallel_loop3A_223 = arith.index_cast %parallel_loop3A_163 : i32 to index
        %parallel_loop3A_224 = arith.constant 48 : index
        %parallel_loop3A_225 = tpu.vector_load %arg8[%parallel_loop3A_222, %parallel_loop3A_223, %parallel_loop3A_224] {strides = array<i32>} : memref<2x200x64xf32, #tpu.memory_space<vmem>>, vector<1x1x16xf32>,
        %parallel_loop3A_226 = vector.shape_cast %parallel_loop3A_225 : vector<1x1x16xf32> to vector<16xf32>
        %parallel_loop3A_227 = vector.shape_cast %parallel_loop3A_221 : vector<16xf32> to vector<1x1x16xf32>
        tpu.vector_store %arg8[%parallel_loop3A_222, %parallel_loop3A_223, %parallel_loop3A_224], %parallel_loop3A_227 {strides = array<i32>} : memref<2x200x64xf32, #tpu.memory_space<vmem>>, vector<1x1x16xf32>,
      } {sc.loop_unroll_factor = 4 : i64, sc.parallel_access}
      %rem3A_144 = arith.constant 2 : i32
      %rem3A_145 = arith.remsi %scan3A_105, %rem3A_144 : i32
      %add3A_146 = arith.addi %mul3A_2, %scan3A_105 : i32
      %mul3A_147 = arith.constant 200 : i32
      %mul3A_148 = arith.muli %add3A_146, %mul3A_147 : i32
      %dma_start3A_149 = arith.constant 0 : i32
      %dma_start3A_150 = arith.constant 0 : i32
      %dma_start3A_151 = tpu.memref_slice %arg8[%rem3A_145, %dma_start3A_149, %dma_start3A_150] : memref<2x200x64xf32, #tpu.memory_space<vmem>> -> memref<1x200x64xf32, #tpu.memory_space<vmem>>
      %dma_start3A_152 = tpu.memref_squeeze %dma_start3A_151 : memref<1x200x64xf32, #tpu.memory_space<vmem>> -> memref<200x64xf32, #tpu.memory_space<vmem>>
      %dma_start3A_153 = arith.constant 0 : i32
      %dma_start3A_154 = tpu.memref_slice %arg5[%mul3A_148, %dma_start3A_153] : memref<204800x64xf32, #tpu.memory_space<hbm>> -> memref<200x64xf32, #tpu.memory_space<hbm>>
      %dma_start3A_155 = tpu.memref_slice %arg11[%rem3A_145] : memref<2x!tpu.dma_semaphore, #tpu.memory_space<semaphore_mem>> -> memref<1x!tpu.dma_semaphore, #tpu.memory_space<semaphore_mem>>
      %dma_start3A_156 = tpu.memref_squeeze %dma_start3A_155 : memref<1x!tpu.dma_semaphore, #tpu.memory_space<semaphore_mem>> -> memref<!tpu.dma_semaphore, #tpu.memory_space<semaphore_mem>>
      %dma_start3A_157 = arith.constant 0 : i32
      %dma_start3A_158 = tpu.memref_slice %arg5[%mul3A_148, %dma_start3A_157] : memref<204800x64xf32, #tpu.memory_space<hbm>> -> memref<200x64xf32, #tpu.memory_space<hbm>>
      %dma_start3A_159 = arith.constant 0 : i32
      %dma_start3A_160 = arith.constant 0 : i32
      %dma_start3A_161 = tpu.memref_slice %arg8[%rem3A_145, %dma_start3A_159, %dma_start3A_160] : memref<2x200x64xf32, #tpu.memory_space<vmem>> -> memref<1x200x64xf32, #tpu.memory_space<vmem>>
      %dma_start3A_162 = tpu.memref_squeeze %dma_start3A_161 : memref<1x200x64xf32, #tpu.memory_space<vmem>> -> memref<200x64xf32, #tpu.memory_space<vmem>>
      tpu.enqueue_dma source(%dma_start3A_162 : memref<200x64xf32, #tpu.memory_space<vmem>>) target(%dma_start3A_158 : memref<200x64xf32, #tpu.memory_space<hbm>>) target_semaphore(%dma_start3A_156 : memref<!tpu.dma_semaphore, #tpu.memory_space<semaphore_mem>>)
    }
    %scan3A_63 = arith.constant 32 : i32
    %rem3A_64 = arith.constant 30 : i32
    %rem3A_65 = arith.constant 2 : i32
    %rem3A_66 = arith.remsi %rem3A_64, %rem3A_65 : i32
    %add3A_67 = arith.constant 30 : i32
    %add3A_68 = arith.addi %mul3A_2, %add3A_67 : i32
    %mul3A_69 = arith.constant 200 : i32
    %mul3A_70 = arith.muli %add3A_68, %mul3A_69 : i32
    %dma_wait3A = arith.constant 0 : i32
    %dma_wait3A_71 = arith.constant 0 : i32
    %dma_wait3A_72 = tpu.memref_slice %arg8[%rem3A_66, %dma_wait3A, %dma_wait3A_71] : memref<2x200x64xf32, #tpu.memory_space<vmem>> -> memref<1x200x64xf32, #tpu.memory_space<vmem>>
    %dma_wait3A_73 = tpu.memref_squeeze %dma_wait3A_72 : memref<1x200x64xf32, #tpu.memory_space<vmem>> -> memref<200x64xf32, #tpu.memory_space<vmem>>
    %dma_wait3A_74 = arith.constant 0 : i32
    %dma_wait3A_75 = tpu.memref_slice %arg5[%mul3A_70, %dma_wait3A_74] : memref<204800x64xf32, #tpu.memory_space<hbm>> -> memref<200x64xf32, #tpu.memory_space<hbm>>
    %dma_wait3A_76 = tpu.memref_slice %arg11[%rem3A_66] : memref<2x!tpu.dma_semaphore, #tpu.memory_space<semaphore_mem>> -> memref<1x!tpu.dma_semaphore, #tpu.memory_space<semaphore_mem>>
    %dma_wait3A_77 = tpu.memref_squeeze %dma_wait3A_76 : memref<1x!tpu.dma_semaphore, #tpu.memory_space<semaphore_mem>> -> memref<!tpu.dma_semaphore, #tpu.memory_space<semaphore_mem>>
    %dma_wait3A_78 = arith.constant 0 : i32
    %dma_wait3A_79 = tpu.memref_slice %arg5[%mul3A_70, %dma_wait3A_78] : memref<204800x64xf32, #tpu.memory_space<hbm>> -> memref<200x64xf32, #tpu.memory_space<hbm>>
    %dma_wait3A_80 = arith.constant 0 : i32
    %dma_wait3A_81 = arith.constant 0 : i32
    %dma_wait3A_82 = tpu.memref_slice %arg8[%rem3A_66, %dma_wait3A_80, %dma_wait3A_81] : memref<2x200x64xf32, #tpu.memory_space<vmem>> -> memref<1x200x64xf32, #tpu.memory_space<vmem>>
    %dma_wait3A_83 = tpu.memref_squeeze %dma_wait3A_82 : memref<1x200x64xf32, #tpu.memory_space<vmem>> -> memref<200x64xf32, #tpu.memory_space<vmem>>
    tpu.wait_dma2 semaphore(%dma_wait3A_77 : memref<!tpu.dma_semaphore, #tpu.memory_space<semaphore_mem>>) src(%dma_wait3A_83 : memref<200x64xf32, #tpu.memory_space<vmem>>) dst(%dma_wait3A_79 : memref<200x64xf32, #tpu.memory_space<hbm>>)
    %rem3A_84 = arith.constant 31 : i32
    %rem3A_85 = arith.constant 2 : i32
    %rem3A_86 = arith.remsi %rem3A_84, %rem3A_85 : i32
    %add3A_87 = arith.constant 31 : i32
    %add3A_88 = arith.addi %mul3A_2, %add3A_87 : i32
    %mul3A_89 = arith.constant 200 : i32
    %mul3A_90 = arith.muli %add3A_88, %mul3A_89 : i32
    %dma_wait3A_91 = arith.constant 0 : i32
    %dma_wait3A_92 = arith.constant 0 : i32
    %dma_wait3A_93 = tpu.memref_slice %arg8[%rem3A_86, %dma_wait3A_91, %dma_wait3A_92] : memref<2x200x64xf32, #tpu.memory_space<vmem>> -> memref<1x200x64xf32, #tpu.memory_space<vmem>>
    %dma_wait3A_94 = tpu.memref_squeeze %dma_wait3A_93 : memref<1x200x64xf32, #tpu.memory_space<vmem>> -> memref<200x64xf32, #tpu.memory_space<vmem>>
    %dma_wait3A_95 = arith.constant 0 : i32
    %dma_wait3A_96 = tpu.memref_slice %arg5[%mul3A_90, %dma_wait3A_95] : memref<204800x64xf32, #tpu.memory_space<hbm>> -> memref<200x64xf32, #tpu.memory_space<hbm>>
    %dma_wait3A_97 = tpu.memref_slice %arg11[%rem3A_86] : memref<2x!tpu.dma_semaphore, #tpu.memory_space<semaphore_mem>> -> memref<1x!tpu.dma_semaphore, #tpu.memory_space<semaphore_mem>>
    %dma_wait3A_98 = tpu.memref_squeeze %dma_wait3A_97 : memref<1x!tpu.dma_semaphore, #tpu.memory_space<semaphore_mem>> -> memref<!tpu.dma_semaphore, #tpu.memory_space<semaphore_mem>>
    %dma_wait3A_99 = arith.constant 0 : i32
    %dma_wait3A_100 = tpu.memref_slice %arg5[%mul3A_90, %dma_wait3A_99] : memref<204800x64xf32, #tpu.memory_space<hbm>> -> memref<200x64xf32, #tpu.memory_space<hbm>>
    %dma_wait3A_101 = arith.constant 0 : i32
    %dma_wait3A_102 = arith.constant 0 : i32
    %dma_wait3A_103 = tpu.memref_slice %arg8[%rem3A_86, %dma_wait3A_101, %dma_wait3A_102] : memref<2x200x64xf32, #tpu.memory_space<vmem>> -> memref<1x200x64xf32, #tpu.memory_space<vmem>>
    %dma_wait3A_104 = tpu.memref_squeeze %dma_wait3A_103 : memref<1x200x64xf32, #tpu.memory_space<vmem>> -> memref<200x64xf32, #tpu.memory_space<vmem>>
    tpu.wait_dma2 semaphore(%dma_wait3A_98 : memref<!tpu.dma_semaphore, #tpu.memory_space<semaphore_mem>>) src(%dma_wait3A_104 : memref<200x64xf32, #tpu.memory_space<vmem>>) dst(%dma_wait3A_100 : memref<200x64xf32, #tpu.memory_space<hbm>>)
    return
  }
}

</mosaic_0001>

<sc_bundles>
// kernel: kernel.3.cloned.1.call-start
scs
__scs_entry_jumppad:
0x0: {  	(pc) =	sbr.rel $0x88, $3  }
0x1: {  	(tag) =	ssettag $0x0;
	lr =	simm.s32 $0x1  }
0x2: {  	[smem:$0x3F9E] =	sst lr;
	_ =	strace $0xD0000000  }
0x3: {  	_ = 	snop  }
0x4: {  	_ = 	snop  }
0x5: {  	_ = 	snop  }
0x6: {  	_ = 	snop  }
0x7: {  	_ = 	snop  }
__scs_overlays_trampoline_lowered:
0x8: {  	[smem:$0x3FAD] =	sst s0  }
0x9: {  	[smem:$0x3FAE] =	sst s1  }
0xa: {  	[smem:$0x3FAF] =	sst s2  }
0xb: {  	[smem:$0x3FB0] =	sst s3  }
0xc: {  	[smem:$0x3FB1] =	sst s4  }
0xd: {  	[smem:$0x3FB2] =	sst s5  }
0xe: {  	[smem:$0x3FB3] =	sst s6  }
0xf: {  	[smem:$0x3FB4] =	sst s7  }
0x10: {  	[smem:$0x3FB5] =	sst s8  }
0x11: {  	[smem:$0x3FB6] =	sst s9;
	s0 =	simm.s32 @!p0 $0x0  }
0x12: {  	s1 =	sld [smem:$0x3F9C];
	s0 =	simm.s32 @p0 $0x1  }
0x13: {  	[smem:$0x3FB7] =	sst s0;
	s0 =	simm.s32 @!p1 $0x0  }
0x14: {  	s2 =	sld [smem:$0x3F9B];
	s0 =	simm.s32 @p1 $0x1  }
0x15: {  	[smem:$0x3FB8] =	sst s0;
	s0 =	simm.s32 @!p2 $0x0  }
0x16: {  	s3 =	sld [smem:$0x3FDB];
	s0 =	simm.s32 @p2 $0x1  }
0x17: {  	s4 =	simm.s32 $0x1BF5;
	[smem:$0x3FBA] =	sst s0  }
0x18: {  	s0 =	sld [smem:$0x3F9D];
	_ =	swait.ge [sflag:s4], $0x0  }
0x19: {  	s7 =	sld [smem:$0x3F9E]  }
0x1a: {  	s8 =	sadd.s32 $0xFFFFE003, lr  }
0x1b: {  	s9 =	sadd.s32 $0xFFFFFEF7, lr;
	s5 =	simm.s32 $0xFFFFFFFF;
	p2 =	slt.u32 s8, $0xFFFFF086  }
0x1c: {  	p1 =	slt.u32 s9, $0xF7A;
	s5 =	simm.s32 @!p2 $0x0  }
0x1d: {  	s5 =	simm.s32 @p1 $0x1;
	p0 =	seq.s32 s7, s2  }
0x1e: {  	s7 =	smul.u32 @!p0 $0xF7A, s2;
	p2 =	seq.s32 @!p0 s5, $0x0  }
0x1f: {  	s9 =	smul.u32 $0xF7A, s1;
	s8 =	simm.s32 @!p0 $0x1BF5;
	p2 =	por !p2, p0  }
0x20: {  	[sflag:s8] =	ssyncset.s32 @!p0 $0xFFFFF086;
	s6 =	sadd.s32 @!p0 s3, s7;
	s7 =	simm.s32 @!p0 $0x108  }
0x21: {  	s3 =	sadd.s32 s3, s9;
	s6 =	sadd.s32 @!p0 $0x88, s6;
	s7 =	simm.s32 @p2 $0x1082  }
0x22: {  	[simem:s7], [sflag:s8] =	dma.local @!p0 [hbm:s6], $0xF7A  }
0x23: {  	s9 =	sor.u32 $0xD0000000, s2;
	s6 =	simm.s32 $0x108;
	_ =	swait.ge @!p0 [sflag:s8], $0x0  }
0x24: {  	s3 =	sadd.s32 $0x88, s3;
	s6 =	simm.s32 @!p1 $0x1082;
	[sflag:s4] =	ssyncset.s32 $0xFFFFF086  }
0x25: {  	[simem:s6], [sflag:s4] =	dma.local [hbm:s3], $0xF7A  }
0x26: {  	[smem:$0x3F9E] =	sst s1;
	(tag) =	ssettag s2;
	_ =	strace s9  }
0x27: {  	s1 =	sld [smem:$0x3FAE]  }
0x28: {  	s2 =	sld [smem:$0x3FAF]  }
0x29: {  	s4 =	sld [smem:$0x3FB1]  }
0x2a: {  	p0 =	seq.s32 s5, $0x0;
	s5 =	sld [smem:$0x3FB2]  }
0x2b: {  	s6 =	sld [smem:$0x3FB3]  }
0x2c: {  	s7 =	sld [smem:$0x3FB4]  }
0x2d: {  	s3 =	simm.s32 $0x108;
	s8 =	sld [smem:$0x3FB5]  }
0x2e: {  	s3 =	simm.s32 @!p0 $0x1082;
	s9 =	sld [smem:$0x3FB6]  }
0x2f: {  	lr =	sadd.s32 s0, s3;
	s0 =	sld [smem:$0x3FAD]  }
0x30: {  	s3 =	sld [smem:$0x3FB0]  }
0x31: {  	[smem:$0x3FB9] =	sst s10  }
0x32: {  	s10 =	sld [smem:$0x3FB7];
	_ =	sdelay $0x3  }
0x33: {  	p0 =	seq.s32 s10, $0x1;
	s10 =	sld [smem:$0x3FB9];
	_ =	sdelay $0x3  }
0x34: {  	[smem:$0x3FB9] =	sst s10  }
0x35: {  	s10 =	sld [smem:$0x3FB8];
	_ =	sdelay $0x3  }
0x36: {  	p1 =	seq.s32 s10, $0x1;
	s10 =	sld [smem:$0x3FB9];
	_ =	sdelay $0x3  }
0x37: {  	[smem:$0x3FB9] =	sst s10  }
0x38: {  	s10 =	sld [smem:$0x3FBA]  }
0x39: {  	_ = 	snop;
	(pc) =	sbr.ind lr, $3  }
0x3a: {  	_ = 	snop  }
0x3b: {  	_ = 	snop  }
0x3c: {  	p2 =	seq.s32 s10, $0x1;
	s10 =	sld [smem:$0x3FB9]  }
0x3d: {  	_ =	shalt  }
0x3e: {  	_ =	shalt  }
0x3f: {  	_ =	shalt  }
0x40: {  	_ =	shalt  }
0x41: {  	_ =	shalt  }
0x42: {  	_ =	shalt  }
0x43: {  	_ =	shalt  }
0x44: {  	_ =	shalt  }
0x45: {  	_ =	shalt  }
0x46: {  	_ =	shalt  }
0x47: {  	_ =	shalt  }
0x48: {  	_ =	shalt  }
0x49: {  	_ =	shalt  }
0x4a: {  	_ =	shalt  }
0x4b: {  	_ =	shalt  }
0x4c: {  	_ =	shalt  }
0x4d: {  	_ =	shalt  }
0x4e: {  	_ =	shalt  }
0x4f: {  	_ =	shalt  }
0x50: {  	_ =	shalt  }
0x51: {  	_ =	shalt  }
0x52: {  	_ =	shalt  }
0x53: {  	_ =	shalt  }
0x54: {  	_ =	shalt  }
0x55: {  	_ =	shalt  }
0x56: {  	_ =	shalt  }
0x57: {  	_ =	shalt  }
0x58: {  	_ =	shalt  }
0x59: {  	_ =	shalt  }
0x5a: {  	_ =	shalt  }
0x5b: {  	_ =	shalt  }
0x5c: {  	_ =	shalt  }
0x5d: {  	_ =	shalt  }
0x5e: {  	_ =	shalt  }
0x5f: {  	_ =	shalt  }
0x60: {  	_ =	shalt  }
0x61: {  	_ =	shalt  }
0x62: {  	_ =	shalt  }
0x63: {  	_ =	shalt  }
0x64: {  	_ =	shalt  }
0x65: {  	_ =	shalt  }
0x66: {  	_ =	shalt  }
0x67: {  	_ =	shalt  }
0x68: {  	_ =	shalt  }
0x69: {  	_ =	shalt  }
0x6a: {  	_ =	shalt  }
0x6b: {  	_ =	shalt  }
0x6c: {  	_ =	shalt  }
0x6d: {  	_ =	shalt  }
0x6e: {  	_ =	shalt  }
0x6f: {  	_ =	shalt  }
0x70: {  	_ =	shalt  }
0x71: {  	_ =	shalt  }
0x72: {  	_ =	shalt  }
0x73: {  	_ =	shalt  }
0x74: {  	_ =	shalt  }
0x75: {  	_ =	shalt  }
0x76: {  	_ =	shalt  }
0x77: {  	_ =	shalt  }
0x78: {  	_ =	shalt  }
0x79: {  	_ =	shalt  }
0x7a: {  	_ =	shalt  }
0x7b: {  	_ =	shalt  }
0x7c: {  	_ =	shalt  }
0x7d: {  	_ =	shalt  }
0x7e: {  	_ =	shalt  }
0x7f: {  	_ =	shalt  }
0x80: {  	_ =	shalt  }
0x81: {  	_ =	shalt  }
0x82: {  	_ =	shalt  }
0x83: {  	_ =	shalt  }
0x84: {  	_ =	shalt  }
0x85: {  	_ =	shalt  }
0x86: {  	_ =	shalt  }
0x87: {  	_ =	shalt  }
.Lfunc_end0:
.L_simem_size_0:
called_computation.1_lowered:
.L_overlay_start_0:
0x88: {  	s2 =	sld [smem:$0x3FD9]  }
0x89: {  	s3 =	sld [smem:$0x3FFE];
	_ =	sdelay $0x1  }
0x8a: {  	s1 =	srdreg.scid  }
0x8b: {  	s0 =	sand.u32 $0x1, s1  }
0x8c: {  	s17 =	sshll.u32 s0, $0xA;
	s2 =	sadd.s32 s3, s2  }
0x8d: {  	s2 =	sadd.s32 s2, s17  }
0x8e: {  	[smem:$0x3FC5] =	sst s2  }
0x8f: {  	_ = 	snop  }
0x90: {  	s2 =	sld [smem:$0x3FD0];
	(tm) =	ssettm $0x1  }
0x91: {  	s18 =	sld [smem:$0x3FFB];
	_ =	sdelay $0x3  }
0x92: {  	_ =	strace s18  }
0x93: {  	s3 =	sld [smem:$0x3FFC];
	_ =	sdelay $0x3  }
0x94: {  	_ =	strace s3  }
0x95: {  	s3 =	sld [smem:$0x3FFD];
	_ =	sdelay $0x3  }
0x96: {  	_ =	strace s3  }
0x97: {  	_ =	strace $0x8FFFFFFF  }
0x98: {  	s19 =	sld [smem:$0x3FDB];
	_ =	sdelay $0x1  }
0x99: {  	s4 =	simm.s32 $_scs_section_size  }
0x9a: {  	s5 =	simm.s32 $_size__tile_overlayer_lowered;
	s6 =	simm.s32 $_tile_overlayer_lowered  }
0x9b: {  	s22 =	simm.s32 $0x1BFF;
	s21 =	sshll.u32 s6, $0x1;
	s3 =	sadd.s32 s4, s19  }
0x9c: {  	s7 =	simm.s32 $0x0;
	s20 =	sshll.u32 s5, $0x1;
	s5 =	sadd.s32 s21, s3  }
0x9d: {  	[timem:s7], [sflag:s22] =	dma.local [hbm:s5], s20  }
0x9e: {  	_ =	swait.ge [sflag:s22], s20  }
0x9f: {  	s4 =	ssub.s32 $0x0, s20;
	[sflag:s22] =	ssyncset.done $0x0  }
0xa0: {  	[sflag:s22] =	ssyncadd.s32 s4;
	_ =	sdelay $0x1  }
0xa1: {  	s23 =	simm.s32 $0x1B8B  }
0xa2: {  	_ =	swait.ge [sflag:s23], $0x1  }
0xa3: {  	[sflag:s23] =	ssyncset.done $0x0  }
0xa4: {  	s25 =	simm.s32 $0x1B8E;
	s24 =	sld [smem:$0x3FFE];
	[sflag:s23] =	ssyncadd.s32 $0xFFFFFFFF  }
0xa5: {  	s26 =	simm.s32 $execute0_lowered;
	[smem:$0x3FD2] =	sst s25  }
0xa6: {  	s5 =	sshll.u32 s26, $0x1;
	_ =	strace $0x80000046;
	[dreg:$0x1] =	wrdreg $0xFFFFFFFF  }
0xa7: {  	s28 =	simm.s32 $_size_execute0_lowered;
	s3 =	sadd.s32 s3, s5;
	[dreg:$0x0] =	wrdreg $0x0  }
0xa8: {  	s5 =	sshll.u32 s28, $0x1;
	[dreg:$0x2] =	wrdreg s3  }
0xa9: {  	[dreg:$0x3] =	wrdreg s5  }
0xaa: {  	[dreg:$0x4] =	wrdreg $0xC0  }
0xab: {  	_ =	task [dreg:s7], $0x5FFFF  }
0xac: {  	[dreg:$0x1] =	wrdreg $0xFFFFFFFF  }
0xad: {  	[dreg:$0x0] =	wrdreg $0x60  }
0xae: {  	[dreg:$0x2] =	wrdreg s24  }
0xaf: {  	[dreg:$0x3] =	wrdreg s2  }
0xb0: {  	[dreg:$0x4] =	wrdreg $0x9  }
0xb1: {  	_ =	task.clear_ibuf [dreg:s7], $0x5FFFF;
	_ =	strace $0x90000046  }
0xb2: {  	s29 =	simm.s32 $0x9;
	_ =	strace $0x80000048  }
0xb3: {  	_ =	swait.ge [sflag:s29], $0x1  }
0xb4: {  	[sflag:s29] =	ssyncadd.s32 $0xFFFFFFFF  }
0xb5: {  	_ =	strace $0x90000048  }
0xb6: {  	_ =	sfence  }
0xb7: {  	s30 =	sld [smem:$0x0];
	_ =	sdelay $0x2  }
0xb8: {  	s31 =	sshll.u32 s1, $0xD;
	s1 =	sshrl.u32 s1, $0x2  }
0xb9: {  	s3 =	sand.u32 $0x4000, s31;
	s1 =	sadd.s32 s1, s30  }
0xba: {  	s0 =	sor.u32 s3, s0;
	s1 =	sshll.u32 s1, $0x11  }
0xbb: {  	s0 =	sor.u32 s1, s0  }
0xbc: {  	s0 =	sadd.s32 $0x8F2B, s0  }
0xbd: {  	[sflag:s0] =	ssyncadd.remote.s32 $0x1  }
0xbe: {  	_ =	sfence.sel $0xFFFF  }
0xbf: {  	[dreg:$0x0] =	wrdreg $0xFFFFFFFF;
	(pc) =	sbr.abs _section_cstart, $3  }
0xc0: {  	[dreg:$0x1] =	wrdreg $0xFFFFFFFF  }
0xc1: {  	_ =	task.clear_ibuf [dreg:s7], $0x2FFFF;
	_ =	strace $0x9FFFFFFF  }
0xc2: {  	(tm) =	ssettm $0x7FFFFFFF  }
0xc3: {  	_ =	shalt  }
tec
execute0_lowered:
.L_overlay_start_1:
0x0: {  	(tag) =	ssettag $0x1  }
0x1: {  	s1 =	srdreg.scid;
	s6 =	rddreg [dreg:$0x0]  }
0x2: {  	s0 =	stileid.u32;
	s2 =	rddreg [dreg:$0x1];
	s3 =	simm.s32 $0x0  }
0x3: {  	s9 =	simm.s32 $0x11300;
	s10 =	simm.s32 $0x6;
	s11 =	simm.s32 $0x80  }
0x4: {  	s12 =	simm.s32 $0x48;
	s13 =	simm.s32 $0x3900;
	s14 =	simm.s32 $0xC8  }
0x5: {  	s15 =	simm.s32 $0x4B00;
	s16 =	simm.s32 $0x148;
	s1 =	sand.u32 $0x1, s1  }
0x6: {  	s17 =	simm.s32 $0x6B00;
	s4 =	sshll.u32 s0, $0x6;
	s5 =	sshll.u32 s1, $0x5  }
0x7: {  	s18 =	simm.s32 $0x4;
	s19 =	simm.s32 $0x5;
	s4 =	sor.u32 s5, s4  }
0x8: {  	[smem:$0x7FF] =	sst s3;
	s1 =	ssub.s32 $0x2, s1;
	s5 =	smul.u32 $0x19, s4  }
0x9: {  	s20 =	simm.s32 $0x0;
	_ =	strace $0x80000047;
	s7 =	sshrl.u32 s1, $0x1  }
0xa: {  	s1 =	ssub.s32 s1, s7;
	s8 =	sadd.s32 s5, s6;
	s5 =	sadd.s32 $0xF43000, s6  }
0xb: {  	s6 =	sadd.s32 $0x7000, s6;
	s7 =	sadd.s32 $0xC00, s8;
	s8 =	smax.u32 s1, $0x1  }
.LBB2_1:
0xc: {  	[tilespmem:s9], [sflag:$0x6] =	stream.linear.gather [hbm4b:s6+s3], $0x3200, $0x38;
	[tilespmem:$0x14500] =	vst v63  }
0xd: {  	_ =	swait.ge [sflag:s10], $0x3200  }
0xe: {  	[sflag:s10] =	ssyncset.done $0x0  }
0xf: {  	[sflag:s10] =	ssyncadd.s32 $0xFFFFCE00  }
0x10: {  	[tilespmem:s3], [sflag:$0x6] =	stream.linear.gather [hbm4b:s7+s3], $0x1900, $0x38;
	[tilespmem:$0x14500] =	vst v63  }
0x11: {  	_ =	swait.ge [sflag:s10], $0x1900  }
0x12: {  	[sflag:s10] =	ssyncset.done $0x0  }
0x13: {  	s21 =	simm.s32 $0x1900;
	[sflag:s10] =	ssyncadd.s32 $0xFFFFE700  }
0x14: {  	[tilespmem:s21], [sflag:$0x1] =	stream.indirect.gather [hbm4b:s5+s11], $0x40, s3, s11, $0xb8;
	[tilespmem:$0x14500] =	vst v63  }
0x15: {  	_ = 	snop  }
0x16: {  	[tilespmem:s13], [sflag:$0x1] =	stream.indirect.gather [hbm4b:s5+s12], $0x40, s11, s12, $0xb8;
	[tilespmem:$0x14500] =	vst v63  }
0x17: {  	_ = 	snop  }
0x18: {  	[tilespmem:s15], [sflag:$0x2] =	stream.indirect.gather [hbm4b:s5+s11], $0x40, s14, s11, $0xb8;
	[tilespmem:$0x14500] =	vst v63  }
0x19: {  	p0 =	por $0x0, $0x0;
	s22 =	simm.s32 $0x0  }
0x1a: {  	[tilespmem:s17], [sflag:$0x2] =	stream.indirect.gather [hbm4b:s5+s12], $0x40, s16, s12, $0xb8;
	[tilespmem:$0x14500] =	vst v63  }
.LBB2_2:
0x1b: {  	p1 =	sgt.u32 s22, $0x1D  }
0x1c: {  	s1 =	sadd.s32 @!p1 $0x2, s22  }
0x1d: {  	s23 =	smul.u32 @!p1 $0xAB, s1;
	_ =	sdelay $0x1  }
0x1e: {  	s23 =	sshrl.u32 @!p1 s23, $0x9  }
0x1f: {  	s24 =	smul.u32 $0xAB, s22;
	s23 =	sand.u32 @!p1 $0x7F, s23  }
0x20: {  	s23 =	smul.u32 @!p1 $0x3, s23  }
0x21: {  	s24 =	sshrl.u32 s24, $0x9  }
0x22: {  	s24 =	sand.u32 $0x7F, s24;
	s23 =	ssub.s32 @!p1 s1, s23  }
0x23: {  	s24 =	smul.u32 $0x3, s24;
	s23 =	sand.u32 @!p1 $0xFF, s23  }
0x24: {  	s25 =	smul.u32 @!p1 $0xC800, s23  }
0x25: {  	s24 =	ssub.s32 s22, s24;
	s1 =	smul.u32 @!p1 $0x320, s1  }
0x26: {  	s28 =	simm.s32 @!p1 $0x80;
	s24 =	sand.u32 $0xFF, s24;
	s25 =	sshrl.u32 @!p1 s25, $0x2  }
0x27: {  	s1 =	sshra.s32 @!p1 s1, $0x2;
	s23 =	sadd.s32 @!p1 $0x1, s23;
	s26 =	sadd.s32 @!p1 $0x1900, s25  }
0x28: {  	[tilespmem:s26], [sflag:s23] =	stream.indirect.gather @!p1 [hbm4b:s5+s28], $0x40, s1, s28, $0xb8;
	[tilespmem:$0x14500] =	vst v63  }
0x29: {  	s25 =	sadd.s32 @!p1 $0x3900, s25;
	s1 =	sadd.s32 @!p1 $0x80, s1;
	s26 =	simm.s32 @!p1 $0x48  }
0x2a: {  	[tilespmem:s25], [sflag:s23] =	stream.indirect.gather @!p1 [hbm4b:s5+s26], $0x40, s1, s26, $0xb8;
	[tilespmem:$0x14500] =	vst v63  }
0x2b: {  	s1 =	sadd.s32 $0x1, s24  }
0x2c: {  	_ =	swait.ge [sflag:s1], $0x2000  }
0x2d: {  	[sflag:s1] =	ssyncset.done $0x0  }
0x2e: {  	s25 =	smulhi.u32 $0xAAAAAAAB, s22;
	[sflag:s1] =	ssyncadd.s32 $0xFFFFE000  }
0x2f: {  	s23 =	sand.u32 $0x1, s22;
	_ =	swait.ge [sflag:s1], $0x1200  }
0x30: {  	p1 =	slt.u32 s22, $0x2;
	s26 =	sshrl.u32 s25, $0x1;
	[sflag:s1] =	ssyncset.done $0x0  }
0x31: {  	s24 =	smul.u32 $0xFFFDA800, s26;
	[sflag:s1] =	ssyncadd.s32 $0xFFFFEE00;
	s1 =	sor.u32 @!p1 $0x4, s23  }
0x32: {  	_ =	swait.ge @!p1 [sflag:s1], $0x3200  }
0x33: {  	s24 =	sshra.s32 s24, $0x2;
	[sflag:s1] =	ssyncset.done @!p1 $0x0  }
0x34: {  	s24 =	sadd.s32 s24, s21;
	[sflag:s1] =	ssyncadd.s32 @!p1 $0xFFFFCE00  }
0x35: {  	s26 =	simm.s32 $0x11380;
	v0 =	vld [tilespmem:s24+$0xC0]  }
0x36: {  	v1 =	vld [tilespmem:s26+$0x40]  }
0x37: {  	s1 =	simm.s32 $0x1;
	v2 =	vld [tilespmem:s26+$0xFFFFFF80]  }
0x38: {  	s1 =	simm.s32 @!p0 $0x0;
	v3 =	vld [tilespmem:s24+$0x40]  }
0x39: {  	v4 =	vld [tilespmem:s26+$0xFFFFFFC0];
	s1 =	smul.u32 $0xC800, s1  }
0x3a: {  	v5 =	vld [tilespmem:s24+$0x80]  }
0x3b: {  	v6 =	vld [tilespmem:s26+$0x0];
	s1 =	sshrl.u32 s1, $0x2;
	v0 =	vadd.f32 v1, v0  }
0x3c: {  	s25 =	sadd.s32 $0xAF80, s1;
	v1 =	vld [tilespmem:s24+$0x0]  }
0x3d: {  	[tilespmem:s25+$0x40] =	vst v0  }
0x3e: {  	v0 =	vadd.f32 v4, v3;
	v3 =	vld [tilespmem:s24+$0xD0]  }
0x3f: {  	v4 =	vld [tilespmem:s26+$0x50]  }
0x40: {  	[tilespmem:s25+$0xFFFFFFC0] =	vst v0;
	v0 =	vadd.f32 v6, v5  }
0x41: {  	v1 =	vadd.f32 v2, v1;
	v2 =	vld [tilespmem:s24+$0x50]  }
0x42: {  	v5 =	vld [tilespmem:s26+$0xFFFFFFD0];
	[tilespmem:s25+$0x0] =	vst v0  }
0x43: {  	[tilespmem:s25+$0xFFFFFF80] =	vst v1;
	v0 =	vld [tilespmem:s24+$0x90]  }
0x44: {  	v1 =	vld [tilespmem:s24+$0x10];
	v3 =	vadd.f32 v4, v3  }
0x45: {  	v4 =	vld [tilespmem:s26+$0xFFFFFF90]  }
0x46: {  	v6 =	vld [tilespmem:s26+$0x10];
	[tilespmem:s25+$0x50] =	vst v3  }
0x47: {  	v2 =	vadd.f32 v5, v2;
	v3 =	vld [tilespmem:s24+$0xE0]  }
0x48: {  	v5 =	vld [tilespmem:s26+$0x60]  }
0x49: {  	[tilespmem:s25+$0xFFFFFFD0] =	vst v2  }
0x4a: {  	v1 =	vadd.f32 v4, v1;
	v2 =	vld [tilespmem:s24+$0x60]  }
0x4b: {  	v4 =	vld [tilespmem:s26+$0xFFFFFFE0]  }
0x4c: {  	v0 =	vadd.f32 v6, v0;
	[tilespmem:s25+$0xFFFFFF90] =	vst v1  }
0x4d: {  	v6 =	vld [tilespmem:s24+$0x20];
	v1 =	vadd.f32 v5, v3  }
0x4e: {  	[tilespmem:s25+$0x10] =	vst v0;
	v7 =	vld [tilespmem:s26+$0xFFFFFFA0]  }
0x4f: {  	v0 =	vld [tilespmem:s24+$0xA0];
	[tilespmem:s25+$0x60] =	vst v1  }
0x50: {  	v3 =	vadd.f32 v4, v2;
	v1 =	vld [tilespmem:s24+$0xF0]  }
0x51: {  	s1 =	smul.u32 $0xC800, s23;
	v2 =	vld [tilespmem:s26+$0x70]  }
0x52: {  	v5 =	vld [tilespmem:s26+$0x20];
	[tilespmem:s25+$0xFFFFFFE0] =	vst v3  }
0x53: {  	s31 =	simm.s32 $0x0;
	s30 =	simm.s32 $0x11380;
	s1 =	sshrl.u32 s1, $0x2;
	v3 =	vld [tilespmem:s24+$0x70];
	v6 =	vadd.f32 v7, v6  }
0x54: {  	s29 =	smov.u32 s25;
	s28 =	sadd.s32 $0xAF00, s1;
	s1 =	sadd.s32 $0x100, s24;
	v4 =	vld [tilespmem:s26+$0xFFFFFFF0]  }
.LBB2_3:
0x55: {  	v7 =	vld [tilespmem:s1+$0xC0];
	[tilespmem:s25+$0xFFFFFFA0] =	vst v6;
	s26 =	sadd.s32 $0x100, s26  }
0x56: {  	v6 =	vld [tilespmem:s26+$0x40];
	v1 =	vadd.f32 v2, v1  }
0x57: {  	v2 =	vld [tilespmem:s26+$0xFFFFFF80];
	v0 =	vadd.f32 v5, v0  }
0x58: {  	v5 =	vld [tilespmem:s1+$0x40];
	[tilespmem:s25+$0x70] =	vst v1  }
0x59: {  	s31 =	sadd.s32 $0x4, s31;
	v1 =	vld [tilespmem:s26+$0xFFFFFFC0];
	v3 =	vadd.f32 v4, v3;
	[tilespmem:s25+$0x20] =	vst v0  }
0x5a: {  	p1 =	slt.u32 s31, $0xC4;
	v0 =	vld [tilespmem:s1+$0x80]  }
0x5b: {  	v4 =	vld [tilespmem:s26+$0x0];
	v6 =	vadd.f32 v6, v7;
	[tilespmem:s25+$0xFFFFFFF0] =	vst v3  }
0x5c: {  	s25 =	sadd.s32 $0x100, s25;
	v3 =	vld [tilespmem:s1+$0x0]  }
0x5d: {  	[tilespmem:s25+$0x40] =	vst v6;
	v6 =	vld [tilespmem:s24+$0x30]  }
0x5e: {  	v1 =	vadd.f32 v1, v5;
	v5 =	vld [tilespmem:s1+$0xD0]  }
0x5f: {  	v7 =	vld [tilespmem:s26+$0x50]  }
0x60: {  	[tilespmem:s25+$0xFFFFFFC0] =	vst v1;
	v0 =	vadd.f32 v4, v0;
	v1 =	vld [tilespmem:s30+$0xFFFFFFB0]  }
0x61: {  	v2 =	vadd.f32 v2, v3;
	v3 =	vld [tilespmem:s1+$0x50]  }
0x62: {  	v4 =	vld [tilespmem:s26+$0xFFFFFFD0];
	[tilespmem:s25+$0x0] =	vst v0  }
0x63: {  	[tilespmem:s25+$0xFFFFFF80] =	vst v2;
	v0 =	vld [tilespmem:s1+$0x90]  }
0x64: {  	v2 =	vld [tilespmem:s1+$0x10];
	v5 =	vadd.f32 v7, v5  }
0x65: {  	v7 =	vld [tilespmem:s26+$0xFFFFFF90];
	v1 =	vadd.f32 v1, v6  }
0x66: {  	v6 =	vld [tilespmem:s26+$0x10];
	[tilespmem:s25+$0x50] =	vst v5  }
0x67: {  	v3 =	vadd.f32 v4, v3;
	v4 =	vld [tilespmem:s1+$0xE0];
	[tilespmem:s29+$0xFFFFFFB0] =	vst v1  }
0x68: {  	v1 =	vld [tilespmem:s26+$0x60]  }
0x69: {  	[tilespmem:s25+$0xFFFFFFD0] =	vst v3;
	v3 =	vld [tilespmem:s24+$0xB0];
	s24 =	smov.u32 s1  }
0x6a: {  	v2 =	vadd.f32 v7, v2;
	v5 =	vld [tilespmem:s1+$0x60]  }
0x6b: {  	v7 =	vld [tilespmem:s26+$0xFFFFFFE0];
	v0 =	vadd.f32 v6, v0  }
0x6c: {  	[tilespmem:s25+$0xFFFFFF90] =	vst v2;
	v6 =	vld [tilespmem:s30+$0x30];
	s30 =	smov.u32 s26  }
0x6d: {  	v8 =	vld [tilespmem:s1+$0x20];
	[tilespmem:s25+$0x10] =	vst v0;
	v1 =	vadd.f32 v1, v4  }
0x6e: {  	v4 =	vld [tilespmem:s26+$0xFFFFFFA0]  }
0x6f: {  	v0 =	vld [tilespmem:s1+$0xA0];
	[tilespmem:s25+$0x60] =	vst v1  }
.Ltmp0:
0x70: {  	v5 =	vadd.f32 v7, v5;
	v1 =	vld [tilespmem:s1+$0xF0];
	(pc) =	sbr.rel @p1 .LBB2_3-.Ltmp0, $4  }
0x71: {  	v2 =	vld [tilespmem:s26+$0x70];
	v7 =	vadd.f32 v6, v3  }
0x72: {  	[tilespmem:s25+$0xFFFFFFE0] =	vst v5;
	v5 =	vld [tilespmem:s26+$0x20]  }
0x73: {  	v6 =	vadd.f32 v4, v8;
	v3 =	vld [tilespmem:s1+$0x70];
	[tilespmem:s29+$0x30] =	vst v7;
	s29 =	smov.u32 s25  }
0x74: {  	s1 =	sadd.s32 $0x100, s1;
	v4 =	vld [tilespmem:s26+$0xFFFFFFF0]  }
0x75: {  	_ =	sdelay $0x1  }
0x76: {  	[tilespmem:s25+$0xFFFFFFA0] =	vst v6;
	v0 =	vadd.f32 v5, v0  }
0x77: {  	v59 =	vld [tilespmem:s24+$0x30]  }
0x78: {  	v60 =	vld [tilespmem:s30+$0xFFFFFFB0];
	[tilespmem:s25+$0x20] =	vst v0  }
0x79: {  	v61 =	vld [tilespmem:s24+$0xB0]  }
0x7a: {  	v7 =	vld [tilespmem:s30+$0x30];
	_ =	sdelay $0x1  }
0x7b: {  	s1 =	sadd.s32 s4, s22;
	s22 =	sadd.s32 $0x1, s22;
	v1 =	vadd.f32 v2, v1  }
0x7c: {  	p1 =	sne.s32 s22, $0x20;
	v62 =	vadd.f32 v4, v3  }
.Ltmp1:
0x7d: {  	[tilespmem:s25+$0x70] =	vst v1;
	v0 =	vadd.f32 v60, v59;
	(pc) =	sbr.rel @p1 .LBB2_2-.Ltmp1, $4  }
0x7e: {  	s1 =	smul.u32 $0x640, s1;
	[tilespmem:s25+$0xFFFFFFF0] =	vst v62;
	v63 =	vadd.f32 v7, v61  }
0x7f: {  	s23 =	sor.u32 $0x4, s23;
	[tilespmem:s29+$0xFFFFFFB0] =	vst v0  }
0x80: {  	p0 =	por !p0, !p0;
	s21 =	sadd.s32 $0x3200, s21;
	s1 =	sadd.s32 s2, s1;
	[tilespmem:s29+$0x30] =	vst v63  }
0x81: {  	[hbm4b:s1+s3] =	stream.linear.scatter [tilespmem:s28], [sflag:s23], $0x3200, $0x38;
	[tilespmem:$0x14500] =	vst v63  }
0x82: {  	s20 =	sadd.s32 $0x1, s20  }
0x83: {  	_ =	swait.ge [sflag:s18], $0x3200;
	p0 =	sne.s32 s20, s8  }
.Ltmp2:
0x84: {  	[sflag:s18] =	ssyncset.done $0x0;
	(pc) =	sbr.rel @p0 .LBB2_1-.Ltmp2, $4  }
0x85: {  	[sflag:s18] =	ssyncadd.s32 $0xFFFFCE00  }
0x86: {  	_ =	swait.ge [sflag:s19], $0x3200  }
0x87: {  	[sflag:s19] =	ssyncset.done $0x0  }
0x88: {  	[sflag:s19] =	ssyncadd.s32 $0xFFFFCE00  }
0x89: {  	_ =	sfence.sel $0x180000  }
0x8a: {  	[bflag:$0x0] =	sbarrier.arrive $0xFFFF  }
0x8b: {  	_ =	strace $0x90000047  }
0x8c: {  	[bflag:$0x2] =	sbarrier.arrive $0xFFFF  }
0x8d: {  	p0 =	sne.s32 s0, $0x0;
	s0 =	rddreg [dreg:$0x2]  }
0x8e: {  	s0 =	sadd.s32 @!p0 $0x100000, s0  }
0x8f: {  	[sflag:s0] =	ssyncadd.tile.s32 @!p0 $0x1;
	_ =	shalt  }
.Lfunc_end2:
_tile_overlayer_lowered:
.L_overlay_start_2:
0x90: {  	(tag) =	ssettag $0x2  }
0x91: {  	s0 =	rddreg [dreg:$0x0];
	s2 =	stileid.u32  }
0x92: {  	s1 =	rddreg [dreg:$0x1];
	p0 =	sne.s32 s2, $0x0  }
0x93: {  	s3 =	rddreg [dreg:$0x2];
	[bflag:$0x3] =	sbarrier.arrive $0xFFFF;
	s2 =	simm.s32 @!p0 $0x1C06  }
0x94: {  	[timem:s3], [sflag:s2] =	dma.local @!p0 [hbm:s0], s1  }
0x95: {  	s0 =	simm.s32 @!p0 $0x6  }
0x96: {  	_ =	swait.ge @!p0 [sflag:s0], s1  }
0x97: {  	s1 =	ssub.s32 @!p0 $0x0, s1;
	[sflag:s0] =	ssyncset.done @!p0 $0x0  }
0x98: {  	[sflag:s0] =	ssyncadd.s32 @!p0 s1  }
0x99: {  	[bflag:$0x3] =	sbarrier.arrive $0xFFFF  }
0x9a: {  	_ =	shalt  }

// kernel: sparse-core-data-format-call.cloned.1.call-start
scs
called_computation_lowered:
.L_overlay_start_0:
0x0: {  	s2 =	sld [smem:$0x3FD9]  }
0x1: {  	s3 =	sld [smem:$0x3FFE];
	_ =	sdelay $0x1  }
0x2: {  	s1 =	srdreg.scid  }
0x3: {  	s0 =	sand.u32 $0x1, s1  }
0x4: {  	s18 =	sshll.u32 s0, $0xA;
	s2 =	sadd.s32 s3, s2  }
0x5: {  	s2 =	sadd.s32 s2, s18  }
0x6: {  	[smem:$0x3FC5] =	sst s2  }
0x7: {  	_ = 	snop  }
0x8: {  	s2 =	sld [smem:$0x3FD0];
	(tm) =	ssettm $0x1  }
0x9: {  	s19 =	sld [smem:$0x3FFB];
	_ =	sdelay $0x3  }
0xa: {  	_ =	strace s19  }
0xb: {  	s3 =	sld [smem:$0x3FFC];
	_ =	sdelay $0x3  }
0xc: {  	_ =	strace s3  }
0xd: {  	s3 =	sld [smem:$0x3FFD];
	_ =	sdelay $0x3  }
0xe: {  	_ =	strace s3  }
0xf: {  	_ =	strace $0x8FFFFFFF  }
0x10: {  	s20 =	sld [smem:$0x3FDB];
	_ =	sdelay $0x1  }
0x11: {  	s4 =	simm.s32 $_scs_section_size  }
0x12: {  	s5 =	simm.s32 $_size__tile_overlayer_lowered;
	s6 =	simm.s32 $_tile_overlayer_lowered  }
0x13: {  	s23 =	simm.s32 $0x1BFF;
	s22 =	sshll.u32 s6, $0x1;
	s3 =	sadd.s32 s4, s20  }
0x14: {  	s7 =	simm.s32 $0x0;
	s21 =	sshll.u32 s5, $0x1;
	s5 =	sadd.s32 s22, s3  }
0x15: {  	[timem:s7], [sflag:s23] =	dma.local [hbm:s5], s21  }
0x16: {  	_ =	swait.ge [sflag:s23], s21  }
0x17: {  	s4 =	ssub.s32 $0x0, s21;
	[sflag:s23] =	ssyncset.done $0x0  }
0x18: {  	[sflag:s23] =	ssyncadd.s32 s4;
	_ =	sdelay $0x1  }
0x19: {  	s24 =	simm.s32 $0x1B8B  }
0x1a: {  	_ =	swait.ge [sflag:s24], $0x1  }
0x1b: {  	[sflag:s24] =	ssyncset.done $0x0  }
0x1c: {  	s26 =	simm.s32 $0x1B8E;
	s25 =	sld [smem:$0x3FFE];
	[sflag:s24] =	ssyncadd.s32 $0xFFFFFFFF  }
0x1d: {  	s27 =	simm.s32 $execute0_lowered;
	[smem:$0x3FD2] =	sst s26  }
0x1e: {  	s5 =	sshll.u32 s27, $0x1;
	_ =	strace $0x80000049;
	[dreg:$0x1] =	wrdreg $0xFFFFFFFF  }
0x1f: {  	s28 =	simm.s32 $_size_execute0_lowered;
	s3 =	sadd.s32 s3, s5;
	[dreg:$0x0] =	wrdreg $0x0  }
0x20: {  	s5 =	sshll.u32 s28, $0x1;
	[dreg:$0x2] =	wrdreg s3  }
0x21: {  	[dreg:$0x3] =	wrdreg s5  }
0x22: {  	[dreg:$0x4] =	wrdreg $0xC0  }
0x23: {  	_ =	task [dreg:s7], $0x5FFFF  }
0x24: {  	[dreg:$0x1] =	wrdreg $0xFFFFFFFF  }
0x25: {  	[dreg:$0x0] =	wrdreg $0x60  }
0x26: {  	[dreg:$0x2] =	wrdreg s25  }
0x27: {  	[dreg:$0x3] =	wrdreg s2  }
0x28: {  	[dreg:$0x4] =	wrdreg $0x9  }
0x29: {  	_ =	task.clear_ibuf [dreg:s7], $0x5FFFF;
	_ =	strace $0x90000049  }
0x2a: {  	s29 =	simm.s32 $0x9;
	_ =	strace $0x8000004B  }
0x2b: {  	_ =	swait.ge [sflag:s29], $0x1  }
0x2c: {  	[sflag:s29] =	ssyncadd.s32 $0xFFFFFFFF  }
0x2d: {  	_ =	strace $0x9000004B  }
0x2e: {  	_ =	sfence  }
0x2f: {  	s30 =	sld [smem:$0x0];
	_ =	sdelay $0x2  }
0x30: {  	s31 =	sshll.u32 s1, $0xD;
	s1 =	sshrl.u32 s1, $0x2  }
0x31: {  	s3 =	sand.u32 $0x4000, s31;
	s1 =	sadd.s32 s1, s30  }
0x32: {  	s0 =	sor.u32 s3, s0;
	s1 =	sshll.u32 s1, $0x11  }
0x33: {  	s0 =	sor.u32 s1, s0  }
0x34: {  	s0 =	sadd.s32 $0x8F2B, s0  }
0x35: {  	[sflag:s0] =	ssyncadd.remote.s32 $0x1  }
0x36: {  	_ =	sfence.sel $0xFFFF  }
0x37: {  	[dreg:$0x0] =	wrdreg $0xFFFFFFFF;
	(pc) =	sbr.abs _section_cstart, $3  }
0x38: {  	[dreg:$0x1] =	wrdreg $0xFFFFFFFF  }
0x39: {  	_ =	task.clear_ibuf [dreg:s7], $0x2FFFF;
	_ =	strace $0x9FFFFFFF  }
0x3a: {  	(tm) =	ssettm $0x7FFFFFFF  }
0x3b: {  	_ =	shalt  }
tec
execute0_lowered:
.L_overlay_start_1:
0x0: {  	(tag) =	ssettag $0x1  }
0x1: {  	s0 =	stileid.u32;
	s6 =	rddreg [dreg:$0x0]  }
0x2: {  	s2 =	rddreg [dreg:$0x1];
	s5 =	srdreg.scid  }
0x3: {  	s31 =	simm.s32 $0x2;
	s13 =	simm.s32 $0x0;
	s1 =	sshll.u32 s0, $0x7  }
0x4: {  	s14 =	simm.s32 $0x0;
	s12 =	simm.s32 $0x0;
	s3 =	sand.u32 $0x380, s1  }
0x5: {  	s5 =	sshll.u32 s5, $0x4;
	s6 =	sadd.s32 $0xC00, s6;
	s4 =	ssub.s32 $0x400, s3  }
0x6: {  	s1 =	rddreg [dreg:$0x2];
	_ =	strace $0x8000004A;
	s7 =	sand.u32 $0x380, s4  }
0x7: {  	s5 =	sand.u32 $0x10, s5;
	p0 =	sne.s32 s7, $0x0;
	s7 =	simm.s32 $0x1  }
.Ltmp0:
0x8: {  	s8 =	sshrl.u32 s4, $0xA;
	s7 =	simm.s32 @!p0 $0x0;
	(pc) =	sbr.rel .LBB1_1-.Ltmp0, $4  }
0x9: {  	s9 =	sor.u32 s0, s5;
	s4 =	simm.s32 $0x1;
	s30 =	sadd.s32 s7, s8  }
0xa: {  	s11 =	smov.u32 s3;
	[sflag:s4] =	ssyncpa.u1 $0x0;
	s5 =	smul.u32 $0x32, s30  }
0xb: {  	[sflag:s31] =	ssyncpa.u1 $0x0;
	p0 =	por $0x0, $0x0;
	s7 =	sshrl.u32 s9, $0x3  }
0xc: {  	s9 =	simm.s32 $0x2000;
	s10 =	smov.u32 s7;
	s8 =	sor.u32 $0x1, s5  }
.LBB1_4:
0xd: {  	s17 =	sand.u32 $0x1F80, s14;
	s13 =	sshll.u32 s13, $0xD  }
0xe: {  	[tilespmem:s16+$0x810 ss:$0x81] =	vst.msk $0xffff, v2;
	s18 =	sshrl.u32 s14, $0x3;
	s31 =	sand.u32 $0x7, s14;
	s17 =	sadd.s32 s2, s17  }
0xf: {  	[tilespmem:s16+$0x1020 ss:$0x81] =	vst.msk $0xffff, v0;
	s18 =	sand.u32 $0xF, s18;
	s14 =	sshll.u32 s31, $0x12;
	s13 =	sadd.s32 s13, s17  }
0x10: {  	[tilespmem:s16+$0x0 ss:$0x81] =	vst.msk $0xffff, v1;
	s14 =	sor.u32 $0x400, s14;
	s13 =	sadd.s32 s18, s13  }
0x11: {  	[hbm4b:s13+s14] =	stream.strided.scatter [tilespmem:s15], [sflag:$0x2], $0x2000, s9, s14, $0x20;
	[tilespmem:$0x8080] =	vst v63  }
.LBB1_5:
0x12: {  	s15 =	sadd.s32 $0x4, s10  }
0x13: {  	s13 =	sadd.s32 $0x400, s11;
	s17 =	smov.u32 s11;
	p2 =	sgt.s32 s15, $0xC7  }
0x14: {  	s17 =	smov.u32 @p2 s13  }
0x15: {  	s15 =	smov.u32 @p2 s7;
	p2 =	sgt.s32 s17, $0x3FF  }
0x16: {  	s17 =	smov.u32 @p2 s3;
	p2 =	sne.s32 s12, s8  }
.Ltmp1:
0x17: {  	p1 =	slt.u32 s12, $0x2;
	(pc) =	sbr.rel @!p2 .LBB1_6-.Ltmp1, $4  }
0x18: {  	s16 =	simm.s32 @!p1 $0x2  }
0x19: {  	s14 =	smov.u32 s11;
	p0 =	por !p0, !p0;
	_ =	swait.ge @!p1 [sflag:s16], $0x2000  }
0x1a: {  	s13 =	smov.u32 s10;
	[sflag:s16] =	ssyncset.done @!p1 $0x0;
	s10 =	smov.u32 s15  }
0x1b: {  	s12 =	sadd.s32 $0x1, s12;
	[sflag:s16] =	ssyncadd.s32 @!p1 $0xFFFFE000;
	s11 =	smov.u32 s17  }
.LBB1_1:
0x1c: {  	p1 =	sge.u32 s12, s5  }
0x1d: {  	s15 =	sand.u32 @!p1 $0x1FFFFFF, s10  }
0x1e: {  	s16 =	smulhi.u32 @!p1 $0x147AE15, s15;
	_ =	sdelay $0x1  }
0x1f: {  	s16 =	smul.u32 @!p1 $0xC8, s16  }
0x20: {  	s17 =	sxor.u32 @!p1 $0xFFFFFFFF, s12;
	s18 =	smul.u32 @!p1 $0xC80, s11  }
0x21: {  	s31 =	sadd.s32 $0xFFFFFFFF, s12;
	s17 =	sshll.u32 @!p1 s17, $0xD;
	s15 =	ssub.s32 @!p1 s15, s16  }
0x22: {  	s16 =	sand.u32 @!p1 $0x2000, s17;
	s17 =	sadd.s32 @!p1 s6, s18;
	s15 =	sshll.u32 @!p1 s15, $0x4  }
0x23: {  	s18 =	simm.s32 @!p1 $0x6400;
	s15 =	sadd.s32 @!p1 s15, s17;
	s17 =	simm.s32 @!p1 $0x40  }
0x24: {  	[tilespmem:s16], [sflag:$0x1] =	stream.strided.gather @!p1 [hbm4b:s15+s17], $0x2000, s18, s17, $0x38;
	[tilespmem:$0x8080] =	vst v63  }
0x25: {  	p1 =	sge.u32 s31, s5  }
.Ltmp2:
0x26: {  	_ = 	snop;
	(pc) =	sbr.rel @p1 .LBB1_5-.Ltmp2, $1  }
0x27: {  	_ =	sdelay $0x3  }
0x28: {  	s15 =	simm.s32 $0x1  }
0x29: {  	_ =	swait.ge [sflag:s4], $0x2000;
	s15 =	simm.s32 @!p0 $0x0  }
0x2a: {  	[sflag:s4] =	ssyncset.done $0x0;
	s16 =	sshll.u32 s15, $0xD  }
0x2b: {  	[sflag:s4] =	ssyncadd.s32 $0xFFFFE000;
	s19 =	sor.u32 $0x20, s16  }
0x2c: {  	s15 =	smul.u32 $0x8100, s15;
	v3 =	vld [tilespmem:s19+$0x10]  }
0x2d: {  	s30 =	sand.u32 $0x1, s12;
	v2 =	vld [tilespmem:s19+$0xFFFFFFF0]  }
0x2e: {  	s16 =	smul.u32 $0x8100, s30;
	s15 =	sshrl.u32 s15, $0x2;
	v0 =	vld [tilespmem:s19+$0x0]  }
0x2f: {  	v1 =	vld [tilespmem:s19+$0xFFFFFFE0];
	s17 =	sor.u32 $0x4000, s15  }
0x30: {  	s31 =	sshrl.u32 s16, $0x2;
	s16 =	sadd.s32 $0x0, s17  }
0x31: {  	s18 =	simm.s32 $0x4;
	s19 =	sadd.s32 $0x40, s19;
	s15 =	sor.u32 $0x4000, s31;
	[tilespmem:s16+$0x1830 ss:$0x81] =	vst.msk $0xffff, v3  }
.LBB1_3:
0x32: {  	v3 =	vld [tilespmem:s19+$0x10];
	p1 =	sne.s32 s18, $0x1FC;
	[tilespmem:s16+$0x810 ss:$0x81] =	vst.msk $0xffff, v2;
	s20 =	smov.u32 s18;
	s18 =	sadd.s32 $0x4, s18  }
.Ltmp3:
0x33: {  	v2 =	vld [tilespmem:s19+$0xFFFFFFF0];
	[tilespmem:s16+$0x1020 ss:$0x81] =	vst.msk $0xffff, v0;
	(pc) =	sbr.rel @p1 .LBB1_3-.Ltmp3, $4  }
0x34: {  	v0 =	vld [tilespmem:s19+$0x0];
	[tilespmem:s16+$0x0 ss:$0x81] =	vst.msk $0xffff, v1  }
0x35: {  	s16 =	sshra.s32 s20, $0x2;
	v1 =	vld [tilespmem:s19+$0xFFFFFFE0]  }
0x36: {  	s16 =	sadd.s32 s16, s17  }
0x37: {  	s19 =	sadd.s32 $0x40, s19;
	[tilespmem:s16+$0x1830 ss:$0x81] =	vst.msk $0xffff, v3  }
.Ltmp4:
0x38: {  	_ = 	snop;
	(pc) =	sbr.rel .LBB1_4-.Ltmp4, $1  }
0x39: {  	_ =	sdelay $0x3  }
.LBB1_6:
0x3a: {  	_ =	sfence.sel $0x180000  }
0x3b: {  	s2 =	simm.s32 $0x1;
	[bflag:$0x0] =	sbarrier.arrive $0xFFFF  }
0x3c: {  	s31 =	simm.s32 $0x2;
	[sflag:s2] =	ssyncpa.u1 $0x1  }
0x3d: {  	[sflag:s31] =	ssyncpa.u1 $0x1  }
0x3e: {  	p0 =	sne.s32 s0, $0x0;
	_ =	strace $0x9000004A  }
0x3f: {  	s0 =	sadd.s32 @!p0 $0x100000, s1;
	[bflag:$0x2] =	sbarrier.arrive $0xFFFF  }
0x40: {  	[sflag:s0] =	ssyncadd.tile.s32 @!p0 $0x1;
	_ =	shalt  }
.Lfunc_end1:
_tile_overlayer_lowered:
.L_overlay_start_2:
0x41: {  	(tag) =	ssettag $0x2  }
0x42: {  	s0 =	rddreg [dreg:$0x0];
	s2 =	stileid.u32  }
0x43: {  	s1 =	rddreg [dreg:$0x1];
	p0 =	sne.s32 s2, $0x0  }
0x44: {  	s3 =	rddreg [dreg:$0x2];
	[bflag:$0x3] =	sbarrier.arrive $0xFFFF;
	s2 =	simm.s32 @!p0 $0x1C01  }
0x45: {  	[timem:s3], [sflag:s2] =	dma.local @!p0 [hbm:s0], s1  }
0x46: {  	s0 =	simm.s32 @!p0 $0x1  }
0x47: {  	_ =	swait.ge @!p0 [sflag:s0], s1  }
0x48: {  	s1 =	ssub.s32 @!p0 $0x0, s1;
	[sflag:s0] =	ssyncset.done @!p0 $0x0  }
0x49: {  	[sflag:s0] =	ssyncadd.s32 @!p0 s1  }
0x4a: {  	[bflag:$0x3] =	sbarrier.arrive $0xFFFF  }
0x4b: {  	_ =	shalt  }

</sc_bundles>
